<compile_context>
chip_gen: v7x
topology: tpu7x:2x2x1
jax: 0.10.2.dev20260603
libtpu: 0.0.44.dev20260713+nightly
codegen_flags: <defaults>
</compile_context>

<pallas_src>
import jax
import jax.numpy as jnp
from jax import lax
from jax.experimental import pallas as pl
from jax.experimental.pallas import tpu as pltpu
from jax.experimental.pallas import tpu_sc as plsc

NC = 2
NS = 16
NW = NC * NS

B = 16384
D = 1024
B_PER_W = B // NW
CHUNK = 32
NBUF = 3
NCHUNK = B_PER_W // CHUNK


def _gather_kernel(idx_hbm, table_hbm, out_hbm, idx_v, rows_v, in_sem, out_sem,
                   idx_sem):
    wid = lax.axis_index("s") * NC + lax.axis_index("c")
    base = wid * B_PER_W
    head = 2 * CHUNK
    pltpu.sync_copy(idx_hbm.at[pl.ds(base, head)], idx_v.at[pl.ds(0, head)])
    idx_rest = pltpu.make_async_copy(
        idx_hbm.at[pl.ds(base + head, B_PER_W - head)],
        idx_v.at[pl.ds(head, B_PER_W - head)],
        idx_sem,
    )
    idx_rest.start()

    def gather(g, buf):
        return pltpu.make_async_copy(
            table_hbm.at[idx_v.at[pl.ds(g * CHUNK, CHUNK)]],
            rows_v.at[buf],
            in_sem,
        )

    def put(g, buf):
        return pltpu.make_async_copy(
            rows_v.at[buf],
            out_hbm.at[pl.ds(base + g * CHUNK, CHUNK)],
            out_sem,
        )

    gather(0, 0).start()
    for g in range(NCHUNK):
        buf = g % NBUF
        nxt = (g + 1) % NBUF
        if g + 1 < NCHUNK:
            if g + 1 >= NBUF:
                put(g + 1 - NBUF, nxt).wait()
            if g == 1:
                idx_rest.wait()
            gather(g + 1, nxt).start()
        gather(g, buf).wait()
        put(g, buf).start()
    for g in range(NCHUNK - NBUF, NCHUNK):
        put(g, g % NBUF).wait()


def kernel(positions, pe):
    flat = positions.reshape(-1)
    mesh = plsc.VectorSubcoreMesh(core_axis_name="c", subcore_axis_name="s")
    out = pl.kernel(
        _gather_kernel,
        out_type=jax.ShapeDtypeStruct((B, D), jnp.float32),
        mesh=mesh,
        scratch_types=[
            pltpu.VMEM((B_PER_W,), jnp.int32),
            pltpu.VMEM((NBUF, CHUNK, D), jnp.float32),
            pltpu.SemaphoreType.DMA,
            pltpu.SemaphoreType.DMA,
            pltpu.SemaphoreType.DMA,
        ],
    )(flat, pe)
    return out.reshape(*positions.shape, pe.shape[-1])

# --- scband reference (transcript-rebuilt; emitter-appended) ---
"""Pipeline reference for scband-sinusoidal-positions-68702296867051 (READ-ONLY COPY).

The authoritative reference and input builder live on the scoring server;
editing this copy changes nothing except your own understanding.
"""

import jax, jax.numpy as jnp
import numpy as np
import math

MAX_LENGTH = 8192
DIM = 1024

def _build_pe(max_length, dim):
    min_scale, max_scale = 1.0, 10000.0
    half = dim // 2
    position = jnp.arange(max_length, dtype=jnp.float32)[:, None]
    scale = -math.log(max_scale / min_scale) / max(1, half - 1)
    div_term = min_scale * jnp.exp(jnp.arange(half, dtype=jnp.float32) * scale)
    pe = jnp.zeros((max_length, dim), dtype=jnp.float32)
    pe = pe.at[:, :half].set(jnp.sin(position * div_term))
    pe = pe.at[:, half:2 * half].set(jnp.cos(position * div_term))
    return pe

def setup_inputs(seed: int = 0) -> dict:
    key = jax.random.key(seed)
    positions = jax.random.randint(key, (4, 4096), 0, MAX_LENGTH, dtype=jnp.int32)
    pe = _build_pe(MAX_LENGTH, DIM)
    return {"positions": positions, "pe": pe}

def reference(positions, pe):
    flat = positions.reshape(-1)
    gathered = jnp.take(pe, flat, axis=0)
    return gathered.reshape(*positions.shape, pe.shape[-1])

if __name__ == "__main__":
    import jax
    _d = setup_inputs()
    print(jax.jit(kernel)(*tuple(_d.values())))

</pallas_src>

<mosaic_0001>
#map = affine_map<(d0, d1) -> (0)>
#map1 = affine_map<(d0, d1) -> (0, 0)>
module attributes {stable_mosaic.version = 14 : i64} {
  func.func @_gather_kernel(%arg0: i32, %arg1: i32, %arg2: memref<16384xi32, #tpu.memory_space<hbm>>, %arg3: memref<8192x1024xf32, #tpu.memory_space<hbm>>, %arg4: memref<16384x1024xf32, #tpu.memory_space<hbm>>, %arg5: memref<512xi32, #tpu.memory_space<vmem>>, %arg6: memref<3x32x1024xf32, #tpu.memory_space<vmem>>, %arg7: memref<!tpu.dma_semaphore, #tpu.memory_space<semaphore_mem>>, %arg8: memref<!tpu.dma_semaphore, #tpu.memory_space<semaphore_mem>>, %arg9: memref<!tpu.dma_semaphore, #tpu.memory_space<semaphore_mem>>) attributes {dimension_semantics = [#tpu.dimension_semantics<core_parallel>, #tpu.dimension_semantics<subcore_parallel>], iteration_bounds = array<i64: 2, 16>, scalar_prefetch = 0 : i64, scratch_operands = 5 : i64, tpu.core_type = #tpu.core_type<sc_vector_subcore>, window_params = [{transform_indices = #map}, {transform_indices = #map1}, {transform_indices = #map1}]} {
    %mul3A = arith.constant 2 : i32
    %mul3A_0 = arith.muli %arg1, %mul3A : i32
    %add3A = arith.addi %mul3A_0, %arg0 : i32
    %mul3A_1 = arith.constant 512 : i32
    %mul3A_2 = arith.muli %add3A, %mul3A_1 : i32
    "tpu.region"() ({
      %run_scoped3A = tpu.sem_alloc : memref<!tpu.dma_semaphore, #tpu.memory_space<semaphore_mem>>
      %dma_start3A_815 = arith.constant 0 : i32
      %dma_start3A_816 = tpu.memref_slice %arg5[%dma_start3A_815] : memref<512xi32, #tpu.memory_space<vmem>> -> memref<64xi32, #tpu.memory_space<vmem>>
      %dma_start3A_817 = tpu.memref_slice %arg2[%mul3A_2] : memref<16384xi32, #tpu.memory_space<hbm>> -> memref<64xi32, #tpu.memory_space<hbm>>
      %dma_start3A_818 = arith.constant 0 : i32
      %dma_start3A_819 = tpu.memref_slice %arg5[%dma_start3A_818] : memref<512xi32, #tpu.memory_space<vmem>> -> memref<64xi32, #tpu.memory_space<vmem>>
      %dma_start3A_820 = tpu.memref_slice %arg2[%mul3A_2] : memref<16384xi32, #tpu.memory_space<hbm>> -> memref<64xi32, #tpu.memory_space<hbm>>
      tpu.enqueue_dma source(%dma_start3A_820 : memref<64xi32, #tpu.memory_space<hbm>>) target(%dma_start3A_819 : memref<64xi32, #tpu.memory_space<vmem>>) target_semaphore(%run_scoped3A : memref<!tpu.dma_semaphore, #tpu.memory_space<semaphore_mem>>)
      %dma_wait3A_821 = arith.constant 0 : i32
      %dma_wait3A_822 = tpu.memref_slice %arg5[%dma_wait3A_821] : memref<512xi32, #tpu.memory_space<vmem>> -> memref<64xi32, #tpu.memory_space<vmem>>
      %dma_wait3A_823 = tpu.memref_slice %arg2[%mul3A_2] : memref<16384xi32, #tpu.memory_space<hbm>> -> memref<64xi32, #tpu.memory_space<hbm>>
      %dma_wait3A_824 = arith.constant 0 : i32
      %dma_wait3A_825 = tpu.memref_slice %arg5[%dma_wait3A_824] : memref<512xi32, #tpu.memory_space<vmem>> -> memref<64xi32, #tpu.memory_space<vmem>>
      %dma_wait3A_826 = tpu.memref_slice %arg2[%mul3A_2] : memref<16384xi32, #tpu.memory_space<hbm>> -> memref<64xi32, #tpu.memory_space<hbm>>
      tpu.wait_dma2 semaphore(%run_scoped3A : memref<!tpu.dma_semaphore, #tpu.memory_space<semaphore_mem>>) src(%dma_wait3A_826 : memref<64xi32, #tpu.memory_space<hbm>>) dst(%dma_wait3A_825 : memref<64xi32, #tpu.memory_space<vmem>>)
      tpu.yield
    }) : () -> ()
    %add3A_3 = arith.constant 64 : i32
    %add3A_4 = arith.addi %mul3A_2, %add3A_3 : i32
    %dma_start3A = arith.constant 64 : i32
    %dma_start3A_5 = tpu.memref_slice %arg5[%dma_start3A] : memref<512xi32, #tpu.memory_space<vmem>> -> memref<448xi32, #tpu.memory_space<vmem>>
    %dma_start3A_6 = tpu.memref_slice %arg2[%add3A_4] : memref<16384xi32, #tpu.memory_space<hbm>> -> memref<448xi32, #tpu.memory_space<hbm>>
    %dma_start3A_7 = arith.constant 64 : i32
    %dma_start3A_8 = tpu.memref_slice %arg5[%dma_start3A_7] : memref<512xi32, #tpu.memory_space<vmem>> -> memref<448xi32, #tpu.memory_space<vmem>>
    %dma_start3A_9 = tpu.memref_slice %arg2[%add3A_4] : memref<16384xi32, #tpu.memory_space<hbm>> -> memref<448xi32, #tpu.memory_space<hbm>>
    tpu.enqueue_dma source(%dma_start3A_9 : memref<448xi32, #tpu.memory_space<hbm>>) target(%dma_start3A_8 : memref<448xi32, #tpu.memory_space<vmem>>) target_semaphore(%arg9 : memref<!tpu.dma_semaphore, #tpu.memory_space<semaphore_mem>>)
    %dma_start3A_10 = arith.constant 0 : i32
    %dma_start3A_11 = arith.constant 0 : i32
    %dma_start3A_12 = arith.constant 0 : i32
    %dma_start3A_13 = tpu.memref_slice %arg6[%dma_start3A_10, %dma_start3A_11, %dma_start3A_12] : memref<3x32x1024xf32, #tpu.memory_space<vmem>> -> memref<1x32x1024xf32, #tpu.memory_space<vmem>>
    %dma_start3A_14 = tpu.memref_squeeze %dma_start3A_13 : memref<1x32x1024xf32, #tpu.memory_space<vmem>> -> memref<32x1024xf32, #tpu.memory_space<vmem>>
    %dma_start3A_15 = arith.constant 0 : i32
    %dma_start3A_16 = tpu.memref_slice %arg5[%dma_start3A_15] : memref<512xi32, #tpu.memory_space<vmem>> -> memref<32xi32, #tpu.memory_space<vmem>>
    %dma_start3A_17 = arith.constant 0 : i32
    %dma_start3A_18 = arith.constant 0 : i32
    %dma_start3A_19 = tpu.memref_slice %arg3[%dma_start3A_17, %dma_start3A_18] : memref<8192x1024xf32, #tpu.memory_space<hbm>> -> memref<8192x1024xf32, #tpu.memory_space<hbm>>
    tpu.enqueue_indirect_dma source(%dma_start3A_19 : memref<8192x1024xf32, #tpu.memory_space<hbm>>) target(%dma_start3A_14 : memref<32x1024xf32, #tpu.memory_space<vmem>>) offsets(%dma_start3A_16 : memref<32xi32, #tpu.memory_space<vmem>>) semaphore(%arg7 : memref<!tpu.dma_semaphore, #tpu.memory_space<semaphore_mem>>)
    %dma_start3A_20 = arith.constant 1 : i32
    %dma_start3A_21 = arith.constant 0 : i32
    %dma_start3A_22 = arith.constant 0 : i32
    %dma_start3A_23 = tpu.memref_slice %arg6[%dma_start3A_20, %dma_start3A_21, %dma_start3A_22] : memref<3x32x1024xf32, #tpu.memory_space<vmem>> -> memref<1x32x1024xf32, #tpu.memory_space<vmem>>
    %dma_start3A_24 = tpu.memref_squeeze %dma_start3A_23 : memref<1x32x1024xf32, #tpu.memory_space<vmem>> -> memref<32x1024xf32, #tpu.memory_space<vmem>>
    %dma_start3A_25 = arith.constant 32 : i32
    %dma_start3A_26 = tpu.memref_slice %arg5[%dma_start3A_25] : memref<512xi32, #tpu.memory_space<vmem>> -> memref<32xi32, #tpu.memory_space<vmem>>
    %dma_start3A_27 = arith.constant 0 : i32
    %dma_start3A_28 = arith.constant 0 : i32
    %dma_start3A_29 = tpu.memref_slice %arg3[%dma_start3A_27, %dma_start3A_28] : memref<8192x1024xf32, #tpu.memory_space<hbm>> -> memref<8192x1024xf32, #tpu.memory_space<hbm>>
    tpu.enqueue_indirect_dma source(%dma_start3A_29 : memref<8192x1024xf32, #tpu.memory_space<hbm>>) target(%dma_start3A_24 : memref<32x1024xf32, #tpu.memory_space<vmem>>) offsets(%dma_start3A_26 : memref<32xi32, #tpu.memory_space<vmem>>) semaphore(%arg7 : memref<!tpu.dma_semaphore, #tpu.memory_space<semaphore_mem>>)
    %dma_wait3A = arith.constant 0 : i32
    %dma_wait3A_30 = arith.constant 0 : i32
    %dma_wait3A_31 = arith.constant 0 : i32
    %dma_wait3A_32 = tpu.memref_slice %arg6[%dma_wait3A, %dma_wait3A_30, %dma_wait3A_31] : memref<3x32x1024xf32, #tpu.memory_space<vmem>> -> memref<1x32x1024xf32, #tpu.memory_space<vmem>>
    %dma_wait3A_33 = tpu.memref_squeeze %dma_wait3A_32 : memref<1x32x1024xf32, #tpu.memory_space<vmem>> -> memref<32x1024xf32, #tpu.memory_space<vmem>>
    %dma_wait3A_34 = arith.constant 0 : i32
    %dma_wait3A_35 = tpu.memref_slice %arg5[%dma_wait3A_34] : memref<512xi32, #tpu.memory_space<vmem>> -> memref<32xi32, #tpu.memory_space<vmem>>
    %dma_wait3A_36 = arith.constant 0 : i32
    %dma_wait3A_37 = arith.constant 0 : i32
    %dma_wait3A_38 = tpu.memref_slice %arg3[%dma_wait3A_36, %dma_wait3A_37] : memref<8192x1024xf32, #tpu.memory_space<hbm>> -> memref<8192x1024xf32, #tpu.memory_space<hbm>>
    tpu.wait_indirect_dma semaphore(%arg7 : memref<!tpu.dma_semaphore, #tpu.memory_space<semaphore_mem>>) src(%dma_wait3A_38 : memref<8192x1024xf32, #tpu.memory_space<hbm>>) dst(%dma_wait3A_33 : memref<32x1024xf32, #tpu.memory_space<vmem>>)
    %add3A_39 = arith.constant 0 : i32
    %add3A_40 = arith.addi %mul3A_2, %add3A_39 : i32
    %dma_start3A_41 = arith.constant 0 : i32
    %dma_start3A_42 = arith.constant 0 : i32
    %dma_start3A_43 = arith.constant 0 : i32
    %dma_start3A_44 = tpu.memref_slice %arg6[%dma_start3A_41, %dma_start3A_42, %dma_start3A_43] : memref<3x32x1024xf32, #tpu.memory_space<vmem>> -> memref<1x32x1024xf32, #tpu.memory_space<vmem>>
    %dma_start3A_45 = tpu.memref_squeeze %dma_start3A_44 : memref<1x32x1024xf32, #tpu.memory_space<vmem>> -> memref<32x1024xf32, #tpu.memory_space<vmem>>
    %dma_start3A_46 = arith.constant 0 : i32
    %dma_start3A_47 = tpu.memref_slice %arg4[%add3A_40, %dma_start3A_46] : memref<16384x1024xf32, #tpu.memory_space<hbm>> -> memref<32x1024xf32, #tpu.memory_space<hbm>>
    %dma_start3A_48 = arith.constant 0 : i32
    %dma_start3A_49 = tpu.memref_slice %arg4[%add3A_40, %dma_start3A_48] : memref<16384x1024xf32, #tpu.memory_space<hbm>> -> memref<32x1024xf32, #tpu.memory_space<hbm>>
    %dma_start3A_50 = arith.constant 0 : i32
    %dma_start3A_51 = arith.constant 0 : i32
    %dma_start3A_52 = tpu.memref_slice %arg6[%dma_start3A_41, %dma_start3A_50, %dma_start3A_51] : memref<3x32x1024xf32, #tpu.memory_space<vmem>> -> memref<1x32x1024xf32, #tpu.memory_space<vmem>>
    %dma_start3A_53 = tpu.memref_squeeze %dma_start3A_52 : memref<1x32x1024xf32, #tpu.memory_space<vmem>> -> memref<32x1024xf32, #tpu.memory_space<vmem>>
    tpu.enqueue_dma source(%dma_start3A_53 : memref<32x1024xf32, #tpu.memory_space<vmem>>) target(%dma_start3A_49 : memref<32x1024xf32, #tpu.memory_space<hbm>>) target_semaphore(%arg8 : memref<!tpu.dma_semaphore, #tpu.memory_space<semaphore_mem>>)
    %dma_wait3A_54 = arith.constant 64 : i32
    %dma_wait3A_55 = tpu.memref_slice %arg5[%dma_wait3A_54] : memref<512xi32, #tpu.memory_space<vmem>> -> memref<448xi32, #tpu.memory_space<vmem>>
    %dma_wait3A_56 = tpu.memref_slice %arg2[%add3A_4] : memref<16384xi32, #tpu.memory_space<hbm>> -> memref<448xi32, #tpu.memory_space<hbm>>
    %dma_wait3A_57 = arith.constant 64 : i32
    %dma_wait3A_58 = tpu.memref_slice %arg5[%dma_wait3A_57] : memref<512xi32, #tpu.memory_space<vmem>> -> memref<448xi32, #tpu.memory_space<vmem>>
    %dma_wait3A_59 = tpu.memref_slice %arg2[%add3A_4] : memref<16384xi32, #tpu.memory_space<hbm>> -> memref<448xi32, #tpu.memory_space<hbm>>
    tpu.wait_dma2 semaphore(%arg9 : memref<!tpu.dma_semaphore, #tpu.memory_space<semaphore_mem>>) src(%dma_wait3A_59 : memref<448xi32, #tpu.memory_space<hbm>>) dst(%dma_wait3A_58 : memref<448xi32, #tpu.memory_space<vmem>>)
    %dma_start3A_60 = arith.constant 2 : i32
    %dma_start3A_61 = arith.constant 0 : i32
    %dma_start3A_62 = arith.constant 0 : i32
    %dma_start3A_63 = tpu.memref_slice %arg6[%dma_start3A_60, %dma_start3A_61, %dma_start3A_62] : memref<3x32x1024xf32, #tpu.memory_space<vmem>> -> memref<1x32x1024xf32, #tpu.memory_space<vmem>>
    %dma_start3A_64 = tpu.memref_squeeze %dma_start3A_63 : memref<1x32x1024xf32, #tpu.memory_space<vmem>> -> memref<32x1024xf32, #tpu.memory_space<vmem>>
    %dma_start3A_65 = arith.constant 64 : i32
    %dma_start3A_66 = tpu.memref_slice %arg5[%dma_start3A_65] : memref<512xi32, #tpu.memory_space<vmem>> -> memref<32xi32, #tpu.memory_space<vmem>>
    %dma_start3A_67 = arith.constant 0 : i32
    %dma_start3A_68 = arith.constant 0 : i32
    %dma_start3A_69 = tpu.memref_slice %arg3[%dma_start3A_67, %dma_start3A_68] : memref<8192x1024xf32, #tpu.memory_space<hbm>> -> memref<8192x1024xf32, #tpu.memory_space<hbm>>
    tpu.enqueue_indirect_dma source(%dma_start3A_69 : memref<8192x1024xf32, #tpu.memory_space<hbm>>) target(%dma_start3A_64 : memref<32x1024xf32, #tpu.memory_space<vmem>>) offsets(%dma_start3A_66 : memref<32xi32, #tpu.memory_space<vmem>>) semaphore(%arg7 : memref<!tpu.dma_semaphore, #tpu.memory_space<semaphore_mem>>)
    %dma_wait3A_70 = arith.constant 1 : i32
    %dma_wait3A_71 = arith.constant 0 : i32
    %dma_wait3A_72 = arith.constant 0 : i32
    %dma_wait3A_73 = tpu.memref_slice %arg6[%dma_wait3A_70, %dma_wait3A_71, %dma_wait3A_72] : memref<3x32x1024xf32, #tpu.memory_space<vmem>> -> memref<1x32x1024xf32, #tpu.memory_space<vmem>>
    %dma_wait3A_74 = tpu.memref_squeeze %dma_wait3A_73 : memref<1x32x1024xf32, #tpu.memory_space<vmem>> -> memref<32x1024xf32, #tpu.memory_space<vmem>>
    %dma_wait3A_75 = arith.constant 32 : i32
    %dma_wait3A_76 = tpu.memref_slice %arg5[%dma_wait3A_75] : memref<512xi32, #tpu.memory_space<vmem>> -> memref<32xi32, #tpu.memory_space<vmem>>
    %dma_wait3A_77 = arith.constant 0 : i32
    %dma_wait3A_78 = arith.constant 0 : i32
    %dma_wait3A_79 = tpu.memref_slice %arg3[%dma_wait3A_77, %dma_wait3A_78] : memref<8192x1024xf32, #tpu.memory_space<hbm>> -> memref<8192x1024xf32, #tpu.memory_space<hbm>>
    tpu.wait_indirect_dma semaphore(%arg7 : memref<!tpu.dma_semaphore, #tpu.memory_space<semaphore_mem>>) src(%dma_wait3A_79 : memref<8192x1024xf32, #tpu.memory_space<hbm>>) dst(%dma_wait3A_74 : memref<32x1024xf32, #tpu.memory_space<vmem>>)
    %add3A_80 = arith.constant 32 : i32
    %add3A_81 = arith.addi %mul3A_2, %add3A_80 : i32
    %dma_start3A_82 = arith.constant 1 : i32
    %dma_start3A_83 = arith.constant 0 : i32
    %dma_start3A_84 = arith.constant 0 : i32
    %dma_start3A_85 = tpu.memref_slice %arg6[%dma_start3A_82, %dma_start3A_83, %dma_start3A_84] : memref<3x32x1024xf32, #tpu.memory_space<vmem>> -> memref<1x32x1024xf32, #tpu.memory_space<vmem>>
    %dma_start3A_86 = tpu.memref_squeeze %dma_start3A_85 : memref<1x32x1024xf32, #tpu.memory_space<vmem>> -> memref<32x1024xf32, #tpu.memory_space<vmem>>
    %dma_start3A_87 = arith.constant 0 : i32
    %dma_start3A_88 = tpu.memref_slice %arg4[%add3A_81, %dma_start3A_87] : memref<16384x1024xf32, #tpu.memory_space<hbm>> -> memref<32x1024xf32, #tpu.memory_space<hbm>>
    %dma_start3A_89 = arith.constant 0 : i32
    %dma_start3A_90 = tpu.memref_slice %arg4[%add3A_81, %dma_start3A_89] : memref<16384x1024xf32, #tpu.memory_space<hbm>> -> memref<32x1024xf32, #tpu.memory_space<hbm>>
    %dma_start3A_91 = arith.constant 0 : i32
    %dma_start3A_92 = arith.constant 0 : i32
    %dma_start3A_93 = tpu.memref_slice %arg6[%dma_start3A_82, %dma_start3A_91, %dma_start3A_92] : memref<3x32x1024xf32, #tpu.memory_space<vmem>> -> memref<1x32x1024xf32, #tpu.memory_space<vmem>>
    %dma_start3A_94 = tpu.memref_squeeze %dma_start3A_93 : memref<1x32x1024xf32, #tpu.memory_space<vmem>> -> memref<32x1024xf32, #tpu.memory_space<vmem>>
    tpu.enqueue_dma source(%dma_start3A_94 : memref<32x1024xf32, #tpu.memory_space<vmem>>) target(%dma_start3A_90 : memref<32x1024xf32, #tpu.memory_space<hbm>>) target_semaphore(%arg8 : memref<!tpu.dma_semaphore, #tpu.memory_space<semaphore_mem>>)
    %add3A_95 = arith.constant 0 : i32
    %add3A_96 = arith.addi %mul3A_2, %add3A_95 : i32
    %dma_wait3A_97 = arith.constant 0 : i32
    %dma_wait3A_98 = arith.constant 0 : i32
    %dma_wait3A_99 = arith.constant 0 : i32
    %dma_wait3A_100 = tpu.memref_slice %arg6[%dma_wait3A_97, %dma_wait3A_98, %dma_wait3A_99] : memref<3x32x1024xf32, #tpu.memory_space<vmem>> -> memref<1x32x1024xf32, #tpu.memory_space<vmem>>
    %dma_wait3A_101 = tpu.memref_squeeze %dma_wait3A_100 : memref<1x32x1024xf32, #tpu.memory_space<vmem>> -> memref<32x1024xf32, #tpu.memory_space<vmem>>
    %dma_wait3A_102 = arith.constant 0 : i32
    %dma_wait3A_103 = tpu.memref_slice %arg4[%add3A_96, %dma_wait3A_102] : memref<16384x1024xf32, #tpu.memory_space<hbm>> -> memref<32x1024xf32, #tpu.memory_space<hbm>>
    %dma_wait3A_104 = arith.constant 0 : i32
    %dma_wait3A_105 = tpu.memref_slice %arg4[%add3A_96, %dma_wait3A_104] : memref<16384x1024xf32, #tpu.memory_space<hbm>> -> memref<32x1024xf32, #tpu.memory_space<hbm>>
    %dma_wait3A_106 = arith.constant 0 : i32
    %dma_wait3A_107 = arith.constant 0 : i32
    %dma_wait3A_108 = tpu.memref_slice %arg6[%dma_wait3A_97, %dma_wait3A_106, %dma_wait3A_107] : memref<3x32x1024xf32, #tpu.memory_space<vmem>> -> memref<1x32x1024xf32, #tpu.memory_space<vmem>>
    %dma_wait3A_109 = tpu.memref_squeeze %dma_wait3A_108 : memref<1x32x1024xf32, #tpu.memory_space<vmem>> -> memref<32x1024xf32, #tpu.memory_space<vmem>>
    tpu.wait_dma2 semaphore(%arg8 : memref<!tpu.dma_semaphore, #tpu.memory_space<semaphore_mem>>) src(%dma_wait3A_109 : memref<32x1024xf32, #tpu.memory_space<vmem>>) dst(%dma_wait3A_105 : memref<32x1024xf32, #tpu.memory_space<hbm>>)
    %dma_start3A_110 = arith.constant 0 : i32
    %dma_start3A_111 = arith.constant 0 : i32
    %dma_start3A_112 = arith.constant 0 : i32
    %dma_start3A_113 = tpu.memref_slice %arg6[%dma_start3A_110, %dma_start3A_111, %dma_start3A_112] : memref<3x32x1024xf32, #tpu.memory_space<vmem>> -> memref<1x32x1024xf32, #tpu.memory_space<vmem>>
    %dma_start3A_114 = tpu.memref_squeeze %dma_start3A_113 : memref<1x32x1024xf32, #tpu.memory_space<vmem>> -> memref<32x1024xf32, #tpu.memory_space<vmem>>
    %dma_start3A_115 = arith.constant 96 : i32
    %dma_start3A_116 = tpu.memref_slice %arg5[%dma_start3A_115] : memref<512xi32, #tpu.memory_space<vmem>> -> memref<32xi32, #tpu.memory_space<vmem>>
    %dma_start3A_117 = arith.constant 0 : i32
    %dma_start3A_118 = arith.constant 0 : i32
    %dma_start3A_119 = tpu.memref_slice %arg3[%dma_start3A_117, %dma_start3A_118] : memref<8192x1024xf32, #tpu.memory_space<hbm>> -> memref<8192x1024xf32, #tpu.memory_space<hbm>>
    tpu.enqueue_indirect_dma source(%dma_start3A_119 : memref<8192x1024xf32, #tpu.memory_space<hbm>>) target(%dma_start3A_114 : memref<32x1024xf32, #tpu.memory_space<vmem>>) offsets(%dma_start3A_116 : memref<32xi32, #tpu.memory_space<vmem>>) semaphore(%arg7 : memref<!tpu.dma_semaphore, #tpu.memory_space<semaphore_mem>>)
    %dma_wait3A_120 = arith.constant 2 : i32
    %dma_wait3A_121 = arith.constant 0 : i32
    %dma_wait3A_122 = arith.constant 0 : i32
    %dma_wait3A_123 = tpu.memref_slice %arg6[%dma_wait3A_120, %dma_wait3A_121, %dma_wait3A_122] : memref<3x32x1024xf32, #tpu.memory_space<vmem>> -> memref<1x32x1024xf32, #tpu.memory_space<vmem>>
    %dma_wait3A_124 = tpu.memref_squeeze %dma_wait3A_123 : memref<1x32x1024xf32, #tpu.memory_space<vmem>> -> memref<32x1024xf32, #tpu.memory_space<vmem>>
    %dma_wait3A_125 = arith.constant 64 : i32
    %dma_wait3A_126 = tpu.memref_slice %arg5[%dma_wait3A_125] : memref<512xi32, #tpu.memory_space<vmem>> -> memref<32xi32, #tpu.memory_space<vmem>>
    %dma_wait3A_127 = arith.constant 0 : i32
    %dma_wait3A_128 = arith.constant 0 : i32
    %dma_wait3A_129 = tpu.memref_slice %arg3[%dma_wait3A_127, %dma_wait3A_128] : memref<8192x1024xf32, #tpu.memory_space<hbm>> -> memref<8192x1024xf32, #tpu.memory_space<hbm>>
    tpu.wait_indirect_dma semaphore(%arg7 : memref<!tpu.dma_semaphore, #tpu.memory_space<semaphore_mem>>) src(%dma_wait3A_129 : memref<8192x1024xf32, #tpu.memory_space<hbm>>) dst(%dma_wait3A_124 : memref<32x1024xf32, #tpu.memory_space<vmem>>)
    %add3A_130 = arith.constant 64 : i32
    %add3A_131 = arith.addi %mul3A_2, %add3A_130 : i32
    %dma_start3A_132 = arith.constant 2 : i32
    %dma_start3A_133 = arith.constant 0 : i32
    %dma_start3A_134 = arith.constant 0 : i32
    %dma_start3A_135 = tpu.memref_slice %arg6[%dma_start3A_132, %dma_start3A_133, %dma_start3A_134] : memref<3x32x1024xf32, #tpu.memory_space<vmem>> -> memref<1x32x1024xf32, #tpu.memory_space<vmem>>
    %dma_start3A_136 = tpu.memref_squeeze %dma_start3A_135 : memref<1x32x1024xf32, #tpu.memory_space<vmem>> -> memref<32x1024xf32, #tpu.memory_space<vmem>>
    %dma_start3A_137 = arith.constant 0 : i32
    %dma_start3A_138 = tpu.memref_slice %arg4[%add3A_131, %dma_start3A_137] : memref<16384x1024xf32, #tpu.memory_space<hbm>> -> memref<32x1024xf32, #tpu.memory_space<hbm>>
    %dma_start3A_139 = arith.constant 0 : i32
    %dma_start3A_140 = tpu.memref_slice %arg4[%add3A_131, %dma_start3A_139] : memref<16384x1024xf32, #tpu.memory_space<hbm>> -> memref<32x1024xf32, #tpu.memory_space<hbm>>
    %dma_start3A_141 = arith.constant 0 : i32
    %dma_start3A_142 = arith.constant 0 : i32
    %dma_start3A_143 = tpu.memref_slice %arg6[%dma_start3A_132, %dma_start3A_141, %dma_start3A_142] : memref<3x32x1024xf32, #tpu.memory_space<vmem>> -> memref<1x32x1024xf32, #tpu.memory_space<vmem>>
    %dma_start3A_144 = tpu.memref_squeeze %dma_start3A_143 : memref<1x32x1024xf32, #tpu.memory_space<vmem>> -> memref<32x1024xf32, #tpu.memory_space<vmem>>
    tpu.enqueue_dma source(%dma_start3A_144 : memref<32x1024xf32, #tpu.memory_space<vmem>>) target(%dma_start3A_140 : memref<32x1024xf32, #tpu.memory_space<hbm>>) target_semaphore(%arg8 : memref<!tpu.dma_semaphore, #tpu.memory_space<semaphore_mem>>)
    %add3A_145 = arith.constant 32 : i32
    %add3A_146 = arith.addi %mul3A_2, %add3A_145 : i32
    %dma_wait3A_147 = arith.constant 1 : i32
    %dma_wait3A_148 = arith.constant 0 : i32
    %dma_wait3A_149 = arith.constant 0 : i32
    %dma_wait3A_150 = tpu.memref_slice %arg6[%dma_wait3A_147, %dma_wait3A_148, %dma_wait3A_149] : memref<3x32x1024xf32, #tpu.memory_space<vmem>> -> memref<1x32x1024xf32, #tpu.memory_space<vmem>>
    %dma_wait3A_151 = tpu.memref_squeeze %dma_wait3A_150 : memref<1x32x1024xf32, #tpu.memory_space<vmem>> -> memref<32x1024xf32, #tpu.memory_space<vmem>>
    %dma_wait3A_152 = arith.constant 0 : i32
    %dma_wait3A_153 = tpu.memref_slice %arg4[%add3A_146, %dma_wait3A_152] : memref<16384x1024xf32, #tpu.memory_space<hbm>> -> memref<32x1024xf32, #tpu.memory_space<hbm>>
    %dma_wait3A_154 = arith.constant 0 : i32
    %dma_wait3A_155 = tpu.memref_slice %arg4[%add3A_146, %dma_wait3A_154] : memref<16384x1024xf32, #tpu.memory_space<hbm>> -> memref<32x1024xf32, #tpu.memory_space<hbm>>
    %dma_wait3A_156 = arith.constant 0 : i32
    %dma_wait3A_157 = arith.constant 0 : i32
    %dma_wait3A_158 = tpu.memref_slice %arg6[%dma_wait3A_147, %dma_wait3A_156, %dma_wait3A_157] : memref<3x32x1024xf32, #tpu.memory_space<vmem>> -> memref<1x32x1024xf32, #tpu.memory_space<vmem>>
    %dma_wait3A_159 = tpu.memref_squeeze %dma_wait3A_158 : memref<1x32x1024xf32, #tpu.memory_space<vmem>> -> memref<32x1024xf32, #tpu.memory_space<vmem>>
    tpu.wait_dma2 semaphore(%arg8 : memref<!tpu.dma_semaphore, #tpu.memory_space<semaphore_mem>>) src(%dma_wait3A_159 : memref<32x1024xf32, #tpu.memory_space<vmem>>) dst(%dma_wait3A_155 : memref<32x1024xf32, #tpu.memory_space<hbm>>)
    %dma_start3A_160 = arith.constant 1 : i32
    %dma_start3A_161 = arith.constant 0 : i32
    %dma_start3A_162 = arith.constant 0 : i32
    %dma_start3A_163 = tpu.memref_slice %arg6[%dma_start3A_160, %dma_start3A_161, %dma_start3A_162] : memref<3x32x1024xf32, #tpu.memory_space<vmem>> -> memref<1x32x1024xf32, #tpu.memory_space<vmem>>
    %dma_start3A_164 = tpu.memref_squeeze %dma_start3A_163 : memref<1x32x1024xf32, #tpu.memory_space<vmem>> -> memref<32x1024xf32, #tpu.memory_space<vmem>>
    %dma_start3A_165 = arith.constant 128 : i32
    %dma_start3A_166 = tpu.memref_slice %arg5[%dma_start3A_165] : memref<512xi32, #tpu.memory_space<vmem>> -> memref<32xi32, #tpu.memory_space<vmem>>
    %dma_start3A_167 = arith.constant 0 : i32
    %dma_start3A_168 = arith.constant 0 : i32
    %dma_start3A_169 = tpu.memref_slice %arg3[%dma_start3A_167, %dma_start3A_168] : memref<8192x1024xf32, #tpu.memory_space<hbm>> -> memref<8192x1024xf32, #tpu.memory_space<hbm>>
    tpu.enqueue_indirect_dma source(%dma_start3A_169 : memref<8192x1024xf32, #tpu.memory_space<hbm>>) target(%dma_start3A_164 : memref<32x1024xf32, #tpu.memory_space<vmem>>) offsets(%dma_start3A_166 : memref<32xi32, #tpu.memory_space<vmem>>) semaphore(%arg7 : memref<!tpu.dma_semaphore, #tpu.memory_space<semaphore_mem>>)
    %dma_wait3A_170 = arith.constant 0 : i32
    %dma_wait3A_171 = arith.constant 0 : i32
    %dma_wait3A_172 = arith.constant 0 : i32
    %dma_wait3A_173 = tpu.memref_slice %arg6[%dma_wait3A_170, %dma_wait3A_171, %dma_wait3A_172] : memref<3x32x1024xf32, #tpu.memory_space<vmem>> -> memref<1x32x1024xf32, #tpu.memory_space<vmem>>
    %dma_wait3A_174 = tpu.memref_squeeze %dma_wait3A_173 : memref<1x32x1024xf32, #tpu.memory_space<vmem>> -> memref<32x1024xf32, #tpu.memory_space<vmem>>
    %dma_wait3A_175 = arith.constant 96 : i32
    %dma_wait3A_176 = tpu.memref_slice %arg5[%dma_wait3A_175] : memref<512xi32, #tpu.memory_space<vmem>> -> memref<32xi32, #tpu.memory_space<vmem>>
    %dma_wait3A_177 = arith.constant 0 : i32
    %dma_wait3A_178 = arith.constant 0 : i32
    %dma_wait3A_179 = tpu.memref_slice %arg3[%dma_wait3A_177, %dma_wait3A_178] : memref<8192x1024xf32, #tpu.memory_space<hbm>> -> memref<8192x1024xf32, #tpu.memory_space<hbm>>
    tpu.wait_indirect_dma semaphore(%arg7 : memref<!tpu.dma_semaphore, #tpu.memory_space<semaphore_mem>>) src(%dma_wait3A_179 : memref<8192x1024xf32, #tpu.memory_space<hbm>>) dst(%dma_wait3A_174 : memref<32x1024xf32, #tpu.memory_space<vmem>>)
    %add3A_180 = arith.constant 96 : i32
    %add3A_181 = arith.addi %mul3A_2, %add3A_180 : i32
    %dma_start3A_182 = arith.constant 0 : i32
    %dma_start3A_183 = arith.constant 0 : i32
    %dma_start3A_184 = arith.constant 0 : i32
    %dma_start3A_185 = tpu.memref_slice %arg6[%dma_start3A_182, %dma_start3A_183, %dma_start3A_184] : memref<3x32x1024xf32, #tpu.memory_space<vmem>> -> memref<1x32x1024xf32, #tpu.memory_space<vmem>>
    %dma_start3A_186 = tpu.memref_squeeze %dma_start3A_185 : memref<1x32x1024xf32, #tpu.memory_space<vmem>> -> memref<32x1024xf32, #tpu.memory_space<vmem>>
    %dma_start3A_187 = arith.constant 0 : i32
    %dma_start3A_188 = tpu.memref_slice %arg4[%add3A_181, %dma_start3A_187] : memref<16384x1024xf32, #tpu.memory_space<hbm>> -> memref<32x1024xf32, #tpu.memory_space<hbm>>
    %dma_start3A_189 = arith.constant 0 : i32
    %dma_start3A_190 = tpu.memref_slice %arg4[%add3A_181, %dma_start3A_189] : memref<16384x1024xf32, #tpu.memory_space<hbm>> -> memref<32x1024xf32, #tpu.memory_space<hbm>>
    %dma_start3A_191 = arith.constant 0 : i32
    %dma_start3A_192 = arith.constant 0 : i32
    %dma_start3A_193 = tpu.memref_slice %arg6[%dma_start3A_182, %dma_start3A_191, %dma_start3A_192] : memref<3x32x1024xf32, #tpu.memory_space<vmem>> -> memref<1x32x1024xf32, #tpu.memory_space<vmem>>
    %dma_start3A_194 = tpu.memref_squeeze %dma_start3A_193 : memref<1x32x1024xf32, #tpu.memory_space<vmem>> -> memref<32x1024xf32, #tpu.memory_space<vmem>>
    tpu.enqueue_dma source(%dma_start3A_194 : memref<32x1024xf32, #tpu.memory_space<vmem>>) target(%dma_start3A_190 : memref<32x1024xf32, #tpu.memory_space<hbm>>) target_semaphore(%arg8 : memref<!tpu.dma_semaphore, #tpu.memory_space<semaphore_mem>>)
    %add3A_195 = arith.constant 64 : i32
    %add3A_196 = arith.addi %mul3A_2, %add3A_195 : i32
    %dma_wait3A_197 = arith.constant 2 : i32
    %dma_wait3A_198 = arith.constant 0 : i32
    %dma_wait3A_199 = arith.constant 0 : i32
    %dma_wait3A_200 = tpu.memref_slice %arg6[%dma_wait3A_197, %dma_wait3A_198, %dma_wait3A_199] : memref<3x32x1024xf32, #tpu.memory_space<vmem>> -> memref<1x32x1024xf32, #tpu.memory_space<vmem>>
    %dma_wait3A_201 = tpu.memref_squeeze %dma_wait3A_200 : memref<1x32x1024xf32, #tpu.memory_space<vmem>> -> memref<32x1024xf32, #tpu.memory_space<vmem>>
    %dma_wait3A_202 = arith.constant 0 : i32
    %dma_wait3A_203 = tpu.memref_slice %arg4[%add3A_196, %dma_wait3A_202] : memref<16384x1024xf32, #tpu.memory_space<hbm>> -> memref<32x1024xf32, #tpu.memory_space<hbm>>
    %dma_wait3A_204 = arith.constant 0 : i32
    %dma_wait3A_205 = tpu.memref_slice %arg4[%add3A_196, %dma_wait3A_204] : memref<16384x1024xf32, #tpu.memory_space<hbm>> -> memref<32x1024xf32, #tpu.memory_space<hbm>>
    %dma_wait3A_206 = arith.constant 0 : i32
    %dma_wait3A_207 = arith.constant 0 : i32
    %dma_wait3A_208 = tpu.memref_slice %arg6[%dma_wait3A_197, %dma_wait3A_206, %dma_wait3A_207] : memref<3x32x1024xf32, #tpu.memory_space<vmem>> -> memref<1x32x1024xf32, #tpu.memory_space<vmem>>
    %dma_wait3A_209 = tpu.memref_squeeze %dma_wait3A_208 : memref<1x32x1024xf32, #tpu.memory_space<vmem>> -> memref<32x1024xf32, #tpu.memory_space<vmem>>
    tpu.wait_dma2 semaphore(%arg8 : memref<!tpu.dma_semaphore, #tpu.memory_space<semaphore_mem>>) src(%dma_wait3A_209 : memref<32x1024xf32, #tpu.memory_space<vmem>>) dst(%dma_wait3A_205 : memref<32x1024xf32, #tpu.memory_space<hbm>>)
    %dma_start3A_210 = arith.constant 2 : i32
    %dma_start3A_211 = arith.constant 0 : i32
    %dma_start3A_212 = arith.constant 0 : i32
    %dma_start3A_213 = tpu.memref_slice %arg6[%dma_start3A_210, %dma_start3A_211, %dma_start3A_212] : memref<3x32x1024xf32, #tpu.memory_space<vmem>> -> memref<1x32x1024xf32, #tpu.memory_space<vmem>>
    %dma_start3A_214 = tpu.memref_squeeze %dma_start3A_213 : memref<1x32x1024xf32, #tpu.memory_space<vmem>> -> memref<32x1024xf32, #tpu.memory_space<vmem>>
    %dma_start3A_215 = arith.constant 160 : i32
    %dma_start3A_216 = tpu.memref_slice %arg5[%dma_start3A_215] : memref<512xi32, #tpu.memory_space<vmem>> -> memref<32xi32, #tpu.memory_space<vmem>>
    %dma_start3A_217 = arith.constant 0 : i32
    %dma_start3A_218 = arith.constant 0 : i32
    %dma_start3A_219 = tpu.memref_slice %arg3[%dma_start3A_217, %dma_start3A_218] : memref<8192x1024xf32, #tpu.memory_space<hbm>> -> memref<8192x1024xf32, #tpu.memory_space<hbm>>
    tpu.enqueue_indirect_dma source(%dma_start3A_219 : memref<8192x1024xf32, #tpu.memory_space<hbm>>) target(%dma_start3A_214 : memref<32x1024xf32, #tpu.memory_space<vmem>>) offsets(%dma_start3A_216 : memref<32xi32, #tpu.memory_space<vmem>>) semaphore(%arg7 : memref<!tpu.dma_semaphore, #tpu.memory_space<semaphore_mem>>)
    %dma_wait3A_220 = arith.constant 1 : i32
    %dma_wait3A_221 = arith.constant 0 : i32
    %dma_wait3A_222 = arith.constant 0 : i32
    %dma_wait3A_223 = tpu.memref_slice %arg6[%dma_wait3A_220, %dma_wait3A_221, %dma_wait3A_222] : memref<3x32x1024xf32, #tpu.memory_space<vmem>> -> memref<1x32x1024xf32, #tpu.memory_space<vmem>>
    %dma_wait3A_224 = tpu.memref_squeeze %dma_wait3A_223 : memref<1x32x1024xf32, #tpu.memory_space<vmem>> -> memref<32x1024xf32, #tpu.memory_space<vmem>>
    %dma_wait3A_225 = arith.constant 128 : i32
    %dma_wait3A_226 = tpu.memref_slice %arg5[%dma_wait3A_225] : memref<512xi32, #tpu.memory_space<vmem>> -> memref<32xi32, #tpu.memory_space<vmem>>
    %dma_wait3A_227 = arith.constant 0 : i32
    %dma_wait3A_228 = arith.constant 0 : i32
    %dma_wait3A_229 = tpu.memref_slice %arg3[%dma_wait3A_227, %dma_wait3A_228] : memref<8192x1024xf32, #tpu.memory_space<hbm>> -> memref<8192x1024xf32, #tpu.memory_space<hbm>>
    tpu.wait_indirect_dma semaphore(%arg7 : memref<!tpu.dma_semaphore, #tpu.memory_space<semaphore_mem>>) src(%dma_wait3A_229 : memref<8192x1024xf32, #tpu.memory_space<hbm>>) dst(%dma_wait3A_224 : memref<32x1024xf32, #tpu.memory_space<vmem>>)
    %add3A_230 = arith.constant 128 : i32
    %add3A_231 = arith.addi %mul3A_2, %add3A_230 : i32
    %dma_start3A_232 = arith.constant 1 : i32
    %dma_start3A_233 = arith.constant 0 : i32
    %dma_start3A_234 = arith.constant 0 : i32
    %dma_start3A_235 = tpu.memref_slice %arg6[%dma_start3A_232, %dma_start3A_233, %dma_start3A_234] : memref<3x32x1024xf32, #tpu.memory_space<vmem>> -> memref<1x32x1024xf32, #tpu.memory_space<vmem>>
    %dma_start3A_236 = tpu.memref_squeeze %dma_start3A_235 : memref<1x32x1024xf32, #tpu.memory_space<vmem>> -> memref<32x1024xf32, #tpu.memory_space<vmem>>
    %dma_start3A_237 = arith.constant 0 : i32
    %dma_start3A_238 = tpu.memref_slice %arg4[%add3A_231, %dma_start3A_237] : memref<16384x1024xf32, #tpu.memory_space<hbm>> -> memref<32x1024xf32, #tpu.memory_space<hbm>>
    %dma_start3A_239 = arith.constant 0 : i32
    %dma_start3A_240 = tpu.memref_slice %arg4[%add3A_231, %dma_start3A_239] : memref<16384x1024xf32, #tpu.memory_space<hbm>> -> memref<32x1024xf32, #tpu.memory_space<hbm>>
    %dma_start3A_241 = arith.constant 0 : i32
    %dma_start3A_242 = arith.constant 0 : i32
    %dma_start3A_243 = tpu.memref_slice %arg6[%dma_start3A_232, %dma_start3A_241, %dma_start3A_242] : memref<3x32x1024xf32, #tpu.memory_space<vmem>> -> memref<1x32x1024xf32, #tpu.memory_space<vmem>>
    %dma_start3A_244 = tpu.memref_squeeze %dma_start3A_243 : memref<1x32x1024xf32, #tpu.memory_space<vmem>> -> memref<32x1024xf32, #tpu.memory_space<vmem>>
    tpu.enqueue_dma source(%dma_start3A_244 : memref<32x1024xf32, #tpu.memory_space<vmem>>) target(%dma_start3A_240 : memref<32x1024xf32, #tpu.memory_space<hbm>>) target_semaphore(%arg8 : memref<!tpu.dma_semaphore, #tpu.memory_space<semaphore_mem>>)
    %add3A_245 = arith.constant 96 : i32
    %add3A_246 = arith.addi %mul3A_2, %add3A_245 : i32
    %dma_wait3A_247 = arith.constant 0 : i32
    %dma_wait3A_248 = arith.constant 0 : i32
    %dma_wait3A_249 = arith.constant 0 : i32
    %dma_wait3A_250 = tpu.memref_slice %arg6[%dma_wait3A_247, %dma_wait3A_248, %dma_wait3A_249] : memref<3x32x1024xf32, #tpu.memory_space<vmem>> -> memref<1x32x1024xf32, #tpu.memory_space<vmem>>
    %dma_wait3A_251 = tpu.memref_squeeze %dma_wait3A_250 : memref<1x32x1024xf32, #tpu.memory_space<vmem>> -> memref<32x1024xf32, #tpu.memory_space<vmem>>
    %dma_wait3A_252 = arith.constant 0 : i32
    %dma_wait3A_253 = tpu.memref_slice %arg4[%add3A_246, %dma_wait3A_252] : memref<16384x1024xf32, #tpu.memory_space<hbm>> -> memref<32x1024xf32, #tpu.memory_space<hbm>>
    %dma_wait3A_254 = arith.constant 0 : i32
    %dma_wait3A_255 = tpu.memref_slice %arg4[%add3A_246, %dma_wait3A_254] : memref<16384x1024xf32, #tpu.memory_space<hbm>> -> memref<32x1024xf32, #tpu.memory_space<hbm>>
    %dma_wait3A_256 = arith.constant 0 : i32
    %dma_wait3A_257 = arith.constant 0 : i32
    %dma_wait3A_258 = tpu.memref_slice %arg6[%dma_wait3A_247, %dma_wait3A_256, %dma_wait3A_257] : memref<3x32x1024xf32, #tpu.memory_space<vmem>> -> memref<1x32x1024xf32, #tpu.memory_space<vmem>>
    %dma_wait3A_259 = tpu.memref_squeeze %dma_wait3A_258 : memref<1x32x1024xf32, #tpu.memory_space<vmem>> -> memref<32x1024xf32, #tpu.memory_space<vmem>>
    tpu.wait_dma2 semaphore(%arg8 : memref<!tpu.dma_semaphore, #tpu.memory_space<semaphore_mem>>) src(%dma_wait3A_259 : memref<32x1024xf32, #tpu.memory_space<vmem>>) dst(%dma_wait3A_255 : memref<32x1024xf32, #tpu.memory_space<hbm>>)
    %dma_start3A_260 = arith.constant 0 : i32
    %dma_start3A_261 = arith.constant 0 : i32
    %dma_start3A_262 = arith.constant 0 : i32
    %dma_start3A_263 = tpu.memref_slice %arg6[%dma_start3A_260, %dma_start3A_261, %dma_start3A_262] : memref<3x32x1024xf32, #tpu.memory_space<vmem>> -> memref<1x32x1024xf32, #tpu.memory_space<vmem>>
    %dma_start3A_264 = tpu.memref_squeeze %dma_start3A_263 : memref<1x32x1024xf32, #tpu.memory_space<vmem>> -> memref<32x1024xf32, #tpu.memory_space<vmem>>
    %dma_start3A_265 = arith.constant 192 : i32
    %dma_start3A_266 = tpu.memref_slice %arg5[%dma_start3A_265] : memref<512xi32, #tpu.memory_space<vmem>> -> memref<32xi32, #tpu.memory_space<vmem>>
    %dma_start3A_267 = arith.constant 0 : i32
    %dma_start3A_268 = arith.constant 0 : i32
    %dma_start3A_269 = tpu.memref_slice %arg3[%dma_start3A_267, %dma_start3A_268] : memref<8192x1024xf32, #tpu.memory_space<hbm>> -> memref<8192x1024xf32, #tpu.memory_space<hbm>>
    tpu.enqueue_indirect_dma source(%dma_start3A_269 : memref<8192x1024xf32, #tpu.memory_space<hbm>>) target(%dma_start3A_264 : memref<32x1024xf32, #tpu.memory_space<vmem>>) offsets(%dma_start3A_266 : memref<32xi32, #tpu.memory_space<vmem>>) semaphore(%arg7 : memref<!tpu.dma_semaphore, #tpu.memory_space<semaphore_mem>>)
    %dma_wait3A_270 = arith.constant 2 : i32
    %dma_wait3A_271 = arith.constant 0 : i32
    %dma_wait3A_272 = arith.constant 0 : i32
    %dma_wait3A_273 = tpu.memref_slice %arg6[%dma_wait3A_270, %dma_wait3A_271, %dma_wait3A_272] : memref<3x32x1024xf32, #tpu.memory_space<vmem>> -> memref<1x32x1024xf32, #tpu.memory_space<vmem>>
    %dma_wait3A_274 = tpu.memref_squeeze %dma_wait3A_273 : memref<1x32x1024xf32, #tpu.memory_space<vmem>> -> memref<32x1024xf32, #tpu.memory_space<vmem>>
    %dma_wait3A_275 = arith.constant 160 : i32
    %dma_wait3A_276 = tpu.memref_slice %arg5[%dma_wait3A_275] : memref<512xi32, #tpu.memory_space<vmem>> -> memref<32xi32, #tpu.memory_space<vmem>>
    %dma_wait3A_277 = arith.constant 0 : i32
    %dma_wait3A_278 = arith.constant 0 : i32
    %dma_wait3A_279 = tpu.memref_slice %arg3[%dma_wait3A_277, %dma_wait3A_278] : memref<8192x1024xf32, #tpu.memory_space<hbm>> -> memref<8192x1024xf32, #tpu.memory_space<hbm>>
    tpu.wait_indirect_dma semaphore(%arg7 : memref<!tpu.dma_semaphore, #tpu.memory_space<semaphore_mem>>) src(%dma_wait3A_279 : memref<8192x1024xf32, #tpu.memory_space<hbm>>) dst(%dma_wait3A_274 : memref<32x1024xf32, #tpu.memory_space<vmem>>)
    %add3A_280 = arith.constant 160 : i32
    %add3A_281 = arith.addi %mul3A_2, %add3A_280 : i32
    %dma_start3A_282 = arith.constant 2 : i32
    %dma_start3A_283 = arith.constant 0 : i32
    %dma_start3A_284 = arith.constant 0 : i32
    %dma_start3A_285 = tpu.memref_slice %arg6[%dma_start3A_282, %dma_start3A_283, %dma_start3A_284] : memref<3x32x1024xf32, #tpu.memory_space<vmem>> -> memref<1x32x1024xf32, #tpu.memory_space<vmem>>
    %dma_start3A_286 = tpu.memref_squeeze %dma_start3A_285 : memref<1x32x1024xf32, #tpu.memory_space<vmem>> -> memref<32x1024xf32, #tpu.memory_space<vmem>>
    %dma_start3A_287 = arith.constant 0 : i32
    %dma_start3A_288 = tpu.memref_slice %arg4[%add3A_281, %dma_start3A_287] : memref<16384x1024xf32, #tpu.memory_space<hbm>> -> memref<32x1024xf32, #tpu.memory_space<hbm>>
    %dma_start3A_289 = arith.constant 0 : i32
    %dma_start3A_290 = tpu.memref_slice %arg4[%add3A_281, %dma_start3A_289] : memref<16384x1024xf32, #tpu.memory_space<hbm>> -> memref<32x1024xf32, #tpu.memory_space<hbm>>
    %dma_start3A_291 = arith.constant 0 : i32
    %dma_start3A_292 = arith.constant 0 : i32
    %dma_start3A_293 = tpu.memref_slice %arg6[%dma_start3A_282, %dma_start3A_291, %dma_start3A_292] : memref<3x32x1024xf32, #tpu.memory_space<vmem>> -> memref<1x32x1024xf32, #tpu.memory_space<vmem>>
    %dma_start3A_294 = tpu.memref_squeeze %dma_start3A_293 : memref<1x32x1024xf32, #tpu.memory_space<vmem>> -> memref<32x1024xf32, #tpu.memory_space<vmem>>
    tpu.enqueue_dma source(%dma_start3A_294 : memref<32x1024xf32, #tpu.memory_space<vmem>>) target(%dma_start3A_290 : memref<32x1024xf32, #tpu.memory_space<hbm>>) target_semaphore(%arg8 : memref<!tpu.dma_semaphore, #tpu.memory_space<semaphore_mem>>)
    %add3A_295 = arith.constant 128 : i32
    %add3A_296 = arith.addi %mul3A_2, %add3A_295 : i32
    %dma_wait3A_297 = arith.constant 1 : i32
    %dma_wait3A_298 = arith.constant 0 : i32
    %dma_wait3A_299 = arith.constant 0 : i32
    %dma_wait3A_300 = tpu.memref_slice %arg6[%dma_wait3A_297, %dma_wait3A_298, %dma_wait3A_299] : memref<3x32x1024xf32, #tpu.memory_space<vmem>> -> memref<1x32x1024xf32, #tpu.memory_space<vmem>>
    %dma_wait3A_301 = tpu.memref_squeeze %dma_wait3A_300 : memref<1x32x1024xf32, #tpu.memory_space<vmem>> -> memref<32x1024xf32, #tpu.memory_space<vmem>>
    %dma_wait3A_302 = arith.constant 0 : i32
    %dma_wait3A_303 = tpu.memref_slice %arg4[%add3A_296, %dma_wait3A_302] : memref<16384x1024xf32, #tpu.memory_space<hbm>> -> memref<32x1024xf32, #tpu.memory_space<hbm>>
    %dma_wait3A_304 = arith.constant 0 : i32
    %dma_wait3A_305 = tpu.memref_slice %arg4[%add3A_296, %dma_wait3A_304] : memref<16384x1024xf32, #tpu.memory_space<hbm>> -> memref<32x1024xf32, #tpu.memory_space<hbm>>
    %dma_wait3A_306 = arith.constant 0 : i32
    %dma_wait3A_307 = arith.constant 0 : i32
    %dma_wait3A_308 = tpu.memref_slice %arg6[%dma_wait3A_297, %dma_wait3A_306, %dma_wait3A_307] : memref<3x32x1024xf32, #tpu.memory_space<vmem>> -> memref<1x32x1024xf32, #tpu.memory_space<vmem>>
    %dma_wait3A_309 = tpu.memref_squeeze %dma_wait3A_308 : memref<1x32x1024xf32, #tpu.memory_space<vmem>> -> memref<32x1024xf32, #tpu.memory_space<vmem>>
    tpu.wait_dma2 semaphore(%arg8 : memref<!tpu.dma_semaphore, #tpu.memory_space<semaphore_mem>>) src(%dma_wait3A_309 : memref<32x1024xf32, #tpu.memory_space<vmem>>) dst(%dma_wait3A_305 : memref<32x1024xf32, #tpu.memory_space<hbm>>)
    %dma_start3A_310 = arith.constant 1 : i32
    %dma_start3A_311 = arith.constant 0 : i32
    %dma_start3A_312 = arith.constant 0 : i32
    %dma_start3A_313 = tpu.memref_slice %arg6[%dma_start3A_310, %dma_start3A_311, %dma_start3A_312] : memref<3x32x1024xf32, #tpu.memory_space<vmem>> -> memref<1x32x1024xf32, #tpu.memory_space<vmem>>
    %dma_start3A_314 = tpu.memref_squeeze %dma_start3A_313 : memref<1x32x1024xf32, #tpu.memory_space<vmem>> -> memref<32x1024xf32, #tpu.memory_space<vmem>>
    %dma_start3A_315 = arith.constant 224 : i32
    %dma_start3A_316 = tpu.memref_slice %arg5[%dma_start3A_315] : memref<512xi32, #tpu.memory_space<vmem>> -> memref<32xi32, #tpu.memory_space<vmem>>
    %dma_start3A_317 = arith.constant 0 : i32
    %dma_start3A_318 = arith.constant 0 : i32
    %dma_start3A_319 = tpu.memref_slice %arg3[%dma_start3A_317, %dma_start3A_318] : memref<8192x1024xf32, #tpu.memory_space<hbm>> -> memref<8192x1024xf32, #tpu.memory_space<hbm>>
    tpu.enqueue_indirect_dma source(%dma_start3A_319 : memref<8192x1024xf32, #tpu.memory_space<hbm>>) target(%dma_start3A_314 : memref<32x1024xf32, #tpu.memory_space<vmem>>) offsets(%dma_start3A_316 : memref<32xi32, #tpu.memory_space<vmem>>) semaphore(%arg7 : memref<!tpu.dma_semaphore, #tpu.memory_space<semaphore_mem>>)
    %dma_wait3A_320 = arith.constant 0 : i32
    %dma_wait3A_321 = arith.constant 0 : i32
    %dma_wait3A_322 = arith.constant 0 : i32
    %dma_wait3A_323 = tpu.memref_slice %arg6[%dma_wait3A_320, %dma_wait3A_321, %dma_wait3A_322] : memref<3x32x1024xf32, #tpu.memory_space<vmem>> -> memref<1x32x1024xf32, #tpu.memory_space<vmem>>
    %dma_wait3A_324 = tpu.memref_squeeze %dma_wait3A_323 : memref<1x32x1024xf32, #tpu.memory_space<vmem>> -> memref<32x1024xf32, #tpu.memory_space<vmem>>
    %dma_wait3A_325 = arith.constant 192 : i32
    %dma_wait3A_326 = tpu.memref_slice %arg5[%dma_wait3A_325] : memref<512xi32, #tpu.memory_space<vmem>> -> memref<32xi32, #tpu.memory_space<vmem>>
    %dma_wait3A_327 = arith.constant 0 : i32
    %dma_wait3A_328 = arith.constant 0 : i32
    %dma_wait3A_329 = tpu.memref_slice %arg3[%dma_wait3A_327, %dma_wait3A_328] : memref<8192x1024xf32, #tpu.memory_space<hbm>> -> memref<8192x1024xf32, #tpu.memory_space<hbm>>
    tpu.wait_indirect_dma semaphore(%arg7 : memref<!tpu.dma_semaphore, #tpu.memory_space<semaphore_mem>>) src(%dma_wait3A_329 : memref<8192x1024xf32, #tpu.memory_space<hbm>>) dst(%dma_wait3A_324 : memref<32x1024xf32, #tpu.memory_space<vmem>>)
    %add3A_330 = arith.constant 192 : i32
    %add3A_331 = arith.addi %mul3A_2, %add3A_330 : i32
    %dma_start3A_332 = arith.constant 0 : i32
    %dma_start3A_333 = arith.constant 0 : i32
    %dma_start3A_334 = arith.constant 0 : i32
    %dma_start3A_335 = tpu.memref_slice %arg6[%dma_start3A_332, %dma_start3A_333, %dma_start3A_334] : memref<3x32x1024xf32, #tpu.memory_space<vmem>> -> memref<1x32x1024xf32, #tpu.memory_space<vmem>>
    %dma_start3A_336 = tpu.memref_squeeze %dma_start3A_335 : memref<1x32x1024xf32, #tpu.memory_space<vmem>> -> memref<32x1024xf32, #tpu.memory_space<vmem>>
    %dma_start3A_337 = arith.constant 0 : i32
    %dma_start3A_338 = tpu.memref_slice %arg4[%add3A_331, %dma_start3A_337] : memref<16384x1024xf32, #tpu.memory_space<hbm>> -> memref<32x1024xf32, #tpu.memory_space<hbm>>
    %dma_start3A_339 = arith.constant 0 : i32
    %dma_start3A_340 = tpu.memref_slice %arg4[%add3A_331, %dma_start3A_339] : memref<16384x1024xf32, #tpu.memory_space<hbm>> -> memref<32x1024xf32, #tpu.memory_space<hbm>>
    %dma_start3A_341 = arith.constant 0 : i32
    %dma_start3A_342 = arith.constant 0 : i32
    %dma_start3A_343 = tpu.memref_slice %arg6[%dma_start3A_332, %dma_start3A_341, %dma_start3A_342] : memref<3x32x1024xf32, #tpu.memory_space<vmem>> -> memref<1x32x1024xf32, #tpu.memory_space<vmem>>
    %dma_start3A_344 = tpu.memref_squeeze %dma_start3A_343 : memref<1x32x1024xf32, #tpu.memory_space<vmem>> -> memref<32x1024xf32, #tpu.memory_space<vmem>>
    tpu.enqueue_dma source(%dma_start3A_344 : memref<32x1024xf32, #tpu.memory_space<vmem>>) target(%dma_start3A_340 : memref<32x1024xf32, #tpu.memory_space<hbm>>) target_semaphore(%arg8 : memref<!tpu.dma_semaphore, #tpu.memory_space<semaphore_mem>>)
    %add3A_345 = arith.constant 160 : i32
    %add3A_346 = arith.addi %mul3A_2, %add3A_345 : i32
    %dma_wait3A_347 = arith.constant 2 : i32
    %dma_wait3A_348 = arith.constant 0 : i32
    %dma_wait3A_349 = arith.constant 0 : i32
    %dma_wait3A_350 = tpu.memref_slice %arg6[%dma_wait3A_347, %dma_wait3A_348, %dma_wait3A_349] : memref<3x32x1024xf32, #tpu.memory_space<vmem>> -> memref<1x32x1024xf32, #tpu.memory_space<vmem>>
    %dma_wait3A_351 = tpu.memref_squeeze %dma_wait3A_350 : memref<1x32x1024xf32, #tpu.memory_space<vmem>> -> memref<32x1024xf32, #tpu.memory_space<vmem>>
    %dma_wait3A_352 = arith.constant 0 : i32
    %dma_wait3A_353 = tpu.memref_slice %arg4[%add3A_346, %dma_wait3A_352] : memref<16384x1024xf32, #tpu.memory_space<hbm>> -> memref<32x1024xf32, #tpu.memory_space<hbm>>
    %dma_wait3A_354 = arith.constant 0 : i32
    %dma_wait3A_355 = tpu.memref_slice %arg4[%add3A_346, %dma_wait3A_354] : memref<16384x1024xf32, #tpu.memory_space<hbm>> -> memref<32x1024xf32, #tpu.memory_space<hbm>>
    %dma_wait3A_356 = arith.constant 0 : i32
    %dma_wait3A_357 = arith.constant 0 : i32
    %dma_wait3A_358 = tpu.memref_slice %arg6[%dma_wait3A_347, %dma_wait3A_356, %dma_wait3A_357] : memref<3x32x1024xf32, #tpu.memory_space<vmem>> -> memref<1x32x1024xf32, #tpu.memory_space<vmem>>
    %dma_wait3A_359 = tpu.memref_squeeze %dma_wait3A_358 : memref<1x32x1024xf32, #tpu.memory_space<vmem>> -> memref<32x1024xf32, #tpu.memory_space<vmem>>
    tpu.wait_dma2 semaphore(%arg8 : memref<!tpu.dma_semaphore, #tpu.memory_space<semaphore_mem>>) src(%dma_wait3A_359 : memref<32x1024xf32, #tpu.memory_space<vmem>>) dst(%dma_wait3A_355 : memref<32x1024xf32, #tpu.memory_space<hbm>>)
    %dma_start3A_360 = arith.constant 2 : i32
    %dma_start3A_361 = arith.constant 0 : i32
    %dma_start3A_362 = arith.constant 0 : i32
    %dma_start3A_363 = tpu.memref_slice %arg6[%dma_start3A_360, %dma_start3A_361, %dma_start3A_362] : memref<3x32x1024xf32, #tpu.memory_space<vmem>> -> memref<1x32x1024xf32, #tpu.memory_space<vmem>>
    %dma_start3A_364 = tpu.memref_squeeze %dma_start3A_363 : memref<1x32x1024xf32, #tpu.memory_space<vmem>> -> memref<32x1024xf32, #tpu.memory_space<vmem>>
    %dma_start3A_365 = arith.constant 256 : i32
    %dma_start3A_366 = tpu.memref_slice %arg5[%dma_start3A_365] : memref<512xi32, #tpu.memory_space<vmem>> -> memref<32xi32, #tpu.memory_space<vmem>>
    %dma_start3A_367 = arith.constant 0 : i32
    %dma_start3A_368 = arith.constant 0 : i32
    %dma_start3A_369 = tpu.memref_slice %arg3[%dma_start3A_367, %dma_start3A_368] : memref<8192x1024xf32, #tpu.memory_space<hbm>> -> memref<8192x1024xf32, #tpu.memory_space<hbm>>
    tpu.enqueue_indirect_dma source(%dma_start3A_369 : memref<8192x1024xf32, #tpu.memory_space<hbm>>) target(%dma_start3A_364 : memref<32x1024xf32, #tpu.memory_space<vmem>>) offsets(%dma_start3A_366 : memref<32xi32, #tpu.memory_space<vmem>>) semaphore(%arg7 : memref<!tpu.dma_semaphore, #tpu.memory_space<semaphore_mem>>)
    %dma_wait3A_370 = arith.constant 1 : i32
    %dma_wait3A_371 = arith.constant 0 : i32
    %dma_wait3A_372 = arith.constant 0 : i32
    %dma_wait3A_373 = tpu.memref_slice %arg6[%dma_wait3A_370, %dma_wait3A_371, %dma_wait3A_372] : memref<3x32x1024xf32, #tpu.memory_space<vmem>> -> memref<1x32x1024xf32, #tpu.memory_space<vmem>>
    %dma_wait3A_374 = tpu.memref_squeeze %dma_wait3A_373 : memref<1x32x1024xf32, #tpu.memory_space<vmem>> -> memref<32x1024xf32, #tpu.memory_space<vmem>>
    %dma_wait3A_375 = arith.constant 224 : i32
    %dma_wait3A_376 = tpu.memref_slice %arg5[%dma_wait3A_375] : memref<512xi32, #tpu.memory_space<vmem>> -> memref<32xi32, #tpu.memory_space<vmem>>
    %dma_wait3A_377 = arith.constant 0 : i32
    %dma_wait3A_378 = arith.constant 0 : i32
    %dma_wait3A_379 = tpu.memref_slice %arg3[%dma_wait3A_377, %dma_wait3A_378] : memref<8192x1024xf32, #tpu.memory_space<hbm>> -> memref<8192x1024xf32, #tpu.memory_space<hbm>>
    tpu.wait_indirect_dma semaphore(%arg7 : memref<!tpu.dma_semaphore, #tpu.memory_space<semaphore_mem>>) src(%dma_wait3A_379 : memref<8192x1024xf32, #tpu.memory_space<hbm>>) dst(%dma_wait3A_374 : memref<32x1024xf32, #tpu.memory_space<vmem>>)
    %add3A_380 = arith.constant 224 : i32
    %add3A_381 = arith.addi %mul3A_2, %add3A_380 : i32
    %dma_start3A_382 = arith.constant 1 : i32
    %dma_start3A_383 = arith.constant 0 : i32
    %dma_start3A_384 = arith.constant 0 : i32
    %dma_start3A_385 = tpu.memref_slice %arg6[%dma_start3A_382, %dma_start3A_383, %dma_start3A_384] : memref<3x32x1024xf32, #tpu.memory_space<vmem>> -> memref<1x32x1024xf32, #tpu.memory_space<vmem>>
    %dma_start3A_386 = tpu.memref_squeeze %dma_start3A_385 : memref<1x32x1024xf32, #tpu.memory_space<vmem>> -> memref<32x1024xf32, #tpu.memory_space<vmem>>
    %dma_start3A_387 = arith.constant 0 : i32
    %dma_start3A_388 = tpu.memref_slice %arg4[%add3A_381, %dma_start3A_387] : memref<16384x1024xf32, #tpu.memory_space<hbm>> -> memref<32x1024xf32, #tpu.memory_space<hbm>>
    %dma_start3A_389 = arith.constant 0 : i32
    %dma_start3A_390 = tpu.memref_slice %arg4[%add3A_381, %dma_start3A_389] : memref<16384x1024xf32, #tpu.memory_space<hbm>> -> memref<32x1024xf32, #tpu.memory_space<hbm>>
    %dma_start3A_391 = arith.constant 0 : i32
    %dma_start3A_392 = arith.constant 0 : i32
    %dma_start3A_393 = tpu.memref_slice %arg6[%dma_start3A_382, %dma_start3A_391, %dma_start3A_392] : memref<3x32x1024xf32, #tpu.memory_space<vmem>> -> memref<1x32x1024xf32, #tpu.memory_space<vmem>>
    %dma_start3A_394 = tpu.memref_squeeze %dma_start3A_393 : memref<1x32x1024xf32, #tpu.memory_space<vmem>> -> memref<32x1024xf32, #tpu.memory_space<vmem>>
    tpu.enqueue_dma source(%dma_start3A_394 : memref<32x1024xf32, #tpu.memory_space<vmem>>) target(%dma_start3A_390 : memref<32x1024xf32, #tpu.memory_space<hbm>>) target_semaphore(%arg8 : memref<!tpu.dma_semaphore, #tpu.memory_space<semaphore_mem>>)
    %add3A_395 = arith.constant 192 : i32
    %add3A_396 = arith.addi %mul3A_2, %add3A_395 : i32
    %dma_wait3A_397 = arith.constant 0 : i32
    %dma_wait3A_398 = arith.constant 0 : i32
    %dma_wait3A_399 = arith.constant 0 : i32
    %dma_wait3A_400 = tpu.memref_slice %arg6[%dma_wait3A_397, %dma_wait3A_398, %dma_wait3A_399] : memref<3x32x1024xf32, #tpu.memory_space<vmem>> -> memref<1x32x1024xf32, #tpu.memory_space<vmem>>
    %dma_wait3A_401 = tpu.memref_squeeze %dma_wait3A_400 : memref<1x32x1024xf32, #tpu.memory_space<vmem>> -> memref<32x1024xf32, #tpu.memory_space<vmem>>
    %dma_wait3A_402 = arith.constant 0 : i32
    %dma_wait3A_403 = tpu.memref_slice %arg4[%add3A_396, %dma_wait3A_402] : memref<16384x1024xf32, #tpu.memory_space<hbm>> -> memref<32x1024xf32, #tpu.memory_space<hbm>>
    %dma_wait3A_404 = arith.constant 0 : i32
    %dma_wait3A_405 = tpu.memref_slice %arg4[%add3A_396, %dma_wait3A_404] : memref<16384x1024xf32, #tpu.memory_space<hbm>> -> memref<32x1024xf32, #tpu.memory_space<hbm>>
    %dma_wait3A_406 = arith.constant 0 : i32
    %dma_wait3A_407 = arith.constant 0 : i32
    %dma_wait3A_408 = tpu.memref_slice %arg6[%dma_wait3A_397, %dma_wait3A_406, %dma_wait3A_407] : memref<3x32x1024xf32, #tpu.memory_space<vmem>> -> memref<1x32x1024xf32, #tpu.memory_space<vmem>>
    %dma_wait3A_409 = tpu.memref_squeeze %dma_wait3A_408 : memref<1x32x1024xf32, #tpu.memory_space<vmem>> -> memref<32x1024xf32, #tpu.memory_space<vmem>>
    tpu.wait_dma2 semaphore(%arg8 : memref<!tpu.dma_semaphore, #tpu.memory_space<semaphore_mem>>) src(%dma_wait3A_409 : memref<32x1024xf32, #tpu.memory_space<vmem>>) dst(%dma_wait3A_405 : memref<32x1024xf32, #tpu.memory_space<hbm>>)
    %dma_start3A_410 = arith.constant 0 : i32
    %dma_start3A_411 = arith.constant 0 : i32
    %dma_start3A_412 = arith.constant 0 : i32
    %dma_start3A_413 = tpu.memref_slice %arg6[%dma_start3A_410, %dma_start3A_411, %dma_start3A_412] : memref<3x32x1024xf32, #tpu.memory_space<vmem>> -> memref<1x32x1024xf32, #tpu.memory_space<vmem>>
    %dma_start3A_414 = tpu.memref_squeeze %dma_start3A_413 : memref<1x32x1024xf32, #tpu.memory_space<vmem>> -> memref<32x1024xf32, #tpu.memory_space<vmem>>
    %dma_start3A_415 = arith.constant 288 : i32
    %dma_start3A_416 = tpu.memref_slice %arg5[%dma_start3A_415] : memref<512xi32, #tpu.memory_space<vmem>> -> memref<32xi32, #tpu.memory_space<vmem>>
    %dma_start3A_417 = arith.constant 0 : i32
    %dma_start3A_418 = arith.constant 0 : i32
    %dma_start3A_419 = tpu.memref_slice %arg3[%dma_start3A_417, %dma_start3A_418] : memref<8192x1024xf32, #tpu.memory_space<hbm>> -> memref<8192x1024xf32, #tpu.memory_space<hbm>>
    tpu.enqueue_indirect_dma source(%dma_start3A_419 : memref<8192x1024xf32, #tpu.memory_space<hbm>>) target(%dma_start3A_414 : memref<32x1024xf32, #tpu.memory_space<vmem>>) offsets(%dma_start3A_416 : memref<32xi32, #tpu.memory_space<vmem>>) semaphore(%arg7 : memref<!tpu.dma_semaphore, #tpu.memory_space<semaphore_mem>>)
    %dma_wait3A_420 = arith.constant 2 : i32
    %dma_wait3A_421 = arith.constant 0 : i32
    %dma_wait3A_422 = arith.constant 0 : i32
    %dma_wait3A_423 = tpu.memref_slice %arg6[%dma_wait3A_420, %dma_wait3A_421, %dma_wait3A_422] : memref<3x32x1024xf32, #tpu.memory_space<vmem>> -> memref<1x32x1024xf32, #tpu.memory_space<vmem>>
    %dma_wait3A_424 = tpu.memref_squeeze %dma_wait3A_423 : memref<1x32x1024xf32, #tpu.memory_space<vmem>> -> memref<32x1024xf32, #tpu.memory_space<vmem>>
    %dma_wait3A_425 = arith.constant 256 : i32
    %dma_wait3A_426 = tpu.memref_slice %arg5[%dma_wait3A_425] : memref<512xi32, #tpu.memory_space<vmem>> -> memref<32xi32, #tpu.memory_space<vmem>>
    %dma_wait3A_427 = arith.constant 0 : i32
    %dma_wait3A_428 = arith.constant 0 : i32
    %dma_wait3A_429 = tpu.memref_slice %arg3[%dma_wait3A_427, %dma_wait3A_428] : memref<8192x1024xf32, #tpu.memory_space<hbm>> -> memref<8192x1024xf32, #tpu.memory_space<hbm>>
    tpu.wait_indirect_dma semaphore(%arg7 : memref<!tpu.dma_semaphore, #tpu.memory_space<semaphore_mem>>) src(%dma_wait3A_429 : memref<8192x1024xf32, #tpu.memory_space<hbm>>) dst(%dma_wait3A_424 : memref<32x1024xf32, #tpu.memory_space<vmem>>)
    %add3A_430 = arith.constant 256 : i32
    %add3A_431 = arith.addi %mul3A_2, %add3A_430 : i32
    %dma_start3A_432 = arith.constant 2 : i32
    %dma_start3A_433 = arith.constant 0 : i32
    %dma_start3A_434 = arith.constant 0 : i32
    %dma_start3A_435 = tpu.memref_slice %arg6[%dma_start3A_432, %dma_start3A_433, %dma_start3A_434] : memref<3x32x1024xf32, #tpu.memory_space<vmem>> -> memref<1x32x1024xf32, #tpu.memory_space<vmem>>
    %dma_start3A_436 = tpu.memref_squeeze %dma_start3A_435 : memref<1x32x1024xf32, #tpu.memory_space<vmem>> -> memref<32x1024xf32, #tpu.memory_space<vmem>>
    %dma_start3A_437 = arith.constant 0 : i32
    %dma_start3A_438 = tpu.memref_slice %arg4[%add3A_431, %dma_start3A_437] : memref<16384x1024xf32, #tpu.memory_space<hbm>> -> memref<32x1024xf32, #tpu.memory_space<hbm>>
    %dma_start3A_439 = arith.constant 0 : i32
    %dma_start3A_440 = tpu.memref_slice %arg4[%add3A_431, %dma_start3A_439] : memref<16384x1024xf32, #tpu.memory_space<hbm>> -> memref<32x1024xf32, #tpu.memory_space<hbm>>
    %dma_start3A_441 = arith.constant 0 : i32
    %dma_start3A_442 = arith.constant 0 : i32
    %dma_start3A_443 = tpu.memref_slice %arg6[%dma_start3A_432, %dma_start3A_441, %dma_start3A_442] : memref<3x32x1024xf32, #tpu.memory_space<vmem>> -> memref<1x32x1024xf32, #tpu.memory_space<vmem>>
    %dma_start3A_444 = tpu.memref_squeeze %dma_start3A_443 : memref<1x32x1024xf32, #tpu.memory_space<vmem>> -> memref<32x1024xf32, #tpu.memory_space<vmem>>
    tpu.enqueue_dma source(%dma_start3A_444 : memref<32x1024xf32, #tpu.memory_space<vmem>>) target(%dma_start3A_440 : memref<32x1024xf32, #tpu.memory_space<hbm>>) target_semaphore(%arg8 : memref<!tpu.dma_semaphore, #tpu.memory_space<semaphore_mem>>)
    %add3A_445 = arith.constant 224 : i32
    %add3A_446 = arith.addi %mul3A_2, %add3A_445 : i32
    %dma_wait3A_447 = arith.constant 1 : i32
    %dma_wait3A_448 = arith.constant 0 : i32
    %dma_wait3A_449 = arith.constant 0 : i32
    %dma_wait3A_450 = tpu.memref_slice %arg6[%dma_wait3A_447, %dma_wait3A_448, %dma_wait3A_449] : memref<3x32x1024xf32, #tpu.memory_space<vmem>> -> memref<1x32x1024xf32, #tpu.memory_space<vmem>>
    %dma_wait3A_451 = tpu.memref_squeeze %dma_wait3A_450 : memref<1x32x1024xf32, #tpu.memory_space<vmem>> -> memref<32x1024xf32, #tpu.memory_space<vmem>>
    %dma_wait3A_452 = arith.constant 0 : i32
    %dma_wait3A_453 = tpu.memref_slice %arg4[%add3A_446, %dma_wait3A_452] : memref<16384x1024xf32, #tpu.memory_space<hbm>> -> memref<32x1024xf32, #tpu.memory_space<hbm>>
    %dma_wait3A_454 = arith.constant 0 : i32
    %dma_wait3A_455 = tpu.memref_slice %arg4[%add3A_446, %dma_wait3A_454] : memref<16384x1024xf32, #tpu.memory_space<hbm>> -> memref<32x1024xf32, #tpu.memory_space<hbm>>
    %dma_wait3A_456 = arith.constant 0 : i32
    %dma_wait3A_457 = arith.constant 0 : i32
    %dma_wait3A_458 = tpu.memref_slice %arg6[%dma_wait3A_447, %dma_wait3A_456, %dma_wait3A_457] : memref<3x32x1024xf32, #tpu.memory_space<vmem>> -> memref<1x32x1024xf32, #tpu.memory_space<vmem>>
    %dma_wait3A_459 = tpu.memref_squeeze %dma_wait3A_458 : memref<1x32x1024xf32, #tpu.memory_space<vmem>> -> memref<32x1024xf32, #tpu.memory_space<vmem>>
    tpu.wait_dma2 semaphore(%arg8 : memref<!tpu.dma_semaphore, #tpu.memory_space<semaphore_mem>>) src(%dma_wait3A_459 : memref<32x1024xf32, #tpu.memory_space<vmem>>) dst(%dma_wait3A_455 : memref<32x1024xf32, #tpu.memory_space<hbm>>)
    %dma_start3A_460 = arith.constant 1 : i32
    %dma_start3A_461 = arith.constant 0 : i32
    %dma_start3A_462 = arith.constant 0 : i32
    %dma_start3A_463 = tpu.memref_slice %arg6[%dma_start3A_460, %dma_start3A_461, %dma_start3A_462] : memref<3x32x1024xf32, #tpu.memory_space<vmem>> -> memref<1x32x1024xf32, #tpu.memory_space<vmem>>
    %dma_start3A_464 = tpu.memref_squeeze %dma_start3A_463 : memref<1x32x1024xf32, #tpu.memory_space<vmem>> -> memref<32x1024xf32, #tpu.memory_space<vmem>>
    %dma_start3A_465 = arith.constant 320 : i32
    %dma_start3A_466 = tpu.memref_slice %arg5[%dma_start3A_465] : memref<512xi32, #tpu.memory_space<vmem>> -> memref<32xi32, #tpu.memory_space<vmem>>
    %dma_start3A_467 = arith.constant 0 : i32
    %dma_start3A_468 = arith.constant 0 : i32
    %dma_start3A_469 = tpu.memref_slice %arg3[%dma_start3A_467, %dma_start3A_468] : memref<8192x1024xf32, #tpu.memory_space<hbm>> -> memref<8192x1024xf32, #tpu.memory_space<hbm>>
    tpu.enqueue_indirect_dma source(%dma_start3A_469 : memref<8192x1024xf32, #tpu.memory_space<hbm>>) target(%dma_start3A_464 : memref<32x1024xf32, #tpu.memory_space<vmem>>) offsets(%dma_start3A_466 : memref<32xi32, #tpu.memory_space<vmem>>) semaphore(%arg7 : memref<!tpu.dma_semaphore, #tpu.memory_space<semaphore_mem>>)
    %dma_wait3A_470 = arith.constant 0 : i32
    %dma_wait3A_471 = arith.constant 0 : i32
    %dma_wait3A_472 = arith.constant 0 : i32
    %dma_wait3A_473 = tpu.memref_slice %arg6[%dma_wait3A_470, %dma_wait3A_471, %dma_wait3A_472] : memref<3x32x1024xf32, #tpu.memory_space<vmem>> -> memref<1x32x1024xf32, #tpu.memory_space<vmem>>
    %dma_wait3A_474 = tpu.memref_squeeze %dma_wait3A_473 : memref<1x32x1024xf32, #tpu.memory_space<vmem>> -> memref<32x1024xf32, #tpu.memory_space<vmem>>
    %dma_wait3A_475 = arith.constant 288 : i32
    %dma_wait3A_476 = tpu.memref_slice %arg5[%dma_wait3A_475] : memref<512xi32, #tpu.memory_space<vmem>> -> memref<32xi32, #tpu.memory_space<vmem>>
    %dma_wait3A_477 = arith.constant 0 : i32
    %dma_wait3A_478 = arith.constant 0 : i32
    %dma_wait3A_479 = tpu.memref_slice %arg3[%dma_wait3A_477, %dma_wait3A_478] : memref<8192x1024xf32, #tpu.memory_space<hbm>> -> memref<8192x1024xf32, #tpu.memory_space<hbm>>
    tpu.wait_indirect_dma semaphore(%arg7 : memref<!tpu.dma_semaphore, #tpu.memory_space<semaphore_mem>>) src(%dma_wait3A_479 : memref<8192x1024xf32, #tpu.memory_space<hbm>>) dst(%dma_wait3A_474 : memref<32x1024xf32, #tpu.memory_space<vmem>>)
    %add3A_480 = arith.constant 288 : i32
    %add3A_481 = arith.addi %mul3A_2, %add3A_480 : i32
    %dma_start3A_482 = arith.constant 0 : i32
    %dma_start3A_483 = arith.constant 0 : i32
    %dma_start3A_484 = arith.constant 0 : i32
    %dma_start3A_485 = tpu.memref_slice %arg6[%dma_start3A_482, %dma_start3A_483, %dma_start3A_484] : memref<3x32x1024xf32, #tpu.memory_space<vmem>> -> memref<1x32x1024xf32, #tpu.memory_space<vmem>>
    %dma_start3A_486 = tpu.memref_squeeze %dma_start3A_485 : memref<1x32x1024xf32, #tpu.memory_space<vmem>> -> memref<32x1024xf32, #tpu.memory_space<vmem>>
    %dma_start3A_487 = arith.constant 0 : i32
    %dma_start3A_488 = tpu.memref_slice %arg4[%add3A_481, %dma_start3A_487] : memref<16384x1024xf32, #tpu.memory_space<hbm>> -> memref<32x1024xf32, #tpu.memory_space<hbm>>
    %dma_start3A_489 = arith.constant 0 : i32
    %dma_start3A_490 = tpu.memref_slice %arg4[%add3A_481, %dma_start3A_489] : memref<16384x1024xf32, #tpu.memory_space<hbm>> -> memref<32x1024xf32, #tpu.memory_space<hbm>>
    %dma_start3A_491 = arith.constant 0 : i32
    %dma_start3A_492 = arith.constant 0 : i32
    %dma_start3A_493 = tpu.memref_slice %arg6[%dma_start3A_482, %dma_start3A_491, %dma_start3A_492] : memref<3x32x1024xf32, #tpu.memory_space<vmem>> -> memref<1x32x1024xf32, #tpu.memory_space<vmem>>
    %dma_start3A_494 = tpu.memref_squeeze %dma_start3A_493 : memref<1x32x1024xf32, #tpu.memory_space<vmem>> -> memref<32x1024xf32, #tpu.memory_space<vmem>>
    tpu.enqueue_dma source(%dma_start3A_494 : memref<32x1024xf32, #tpu.memory_space<vmem>>) target(%dma_start3A_490 : memref<32x1024xf32, #tpu.memory_space<hbm>>) target_semaphore(%arg8 : memref<!tpu.dma_semaphore, #tpu.memory_space<semaphore_mem>>)
    %add3A_495 = arith.constant 256 : i32
    %add3A_496 = arith.addi %mul3A_2, %add3A_495 : i32
    %dma_wait3A_497 = arith.constant 2 : i32
    %dma_wait3A_498 = arith.constant 0 : i32
    %dma_wait3A_499 = arith.constant 0 : i32
    %dma_wait3A_500 = tpu.memref_slice %arg6[%dma_wait3A_497, %dma_wait3A_498, %dma_wait3A_499] : memref<3x32x1024xf32, #tpu.memory_space<vmem>> -> memref<1x32x1024xf32, #tpu.memory_space<vmem>>
    %dma_wait3A_501 = tpu.memref_squeeze %dma_wait3A_500 : memref<1x32x1024xf32, #tpu.memory_space<vmem>> -> memref<32x1024xf32, #tpu.memory_space<vmem>>
    %dma_wait3A_502 = arith.constant 0 : i32
    %dma_wait3A_503 = tpu.memref_slice %arg4[%add3A_496, %dma_wait3A_502] : memref<16384x1024xf32, #tpu.memory_space<hbm>> -> memref<32x1024xf32, #tpu.memory_space<hbm>>
    %dma_wait3A_504 = arith.constant 0 : i32
    %dma_wait3A_505 = tpu.memref_slice %arg4[%add3A_496, %dma_wait3A_504] : memref<16384x1024xf32, #tpu.memory_space<hbm>> -> memref<32x1024xf32, #tpu.memory_space<hbm>>
    %dma_wait3A_506 = arith.constant 0 : i32
    %dma_wait3A_507 = arith.constant 0 : i32
    %dma_wait3A_508 = tpu.memref_slice %arg6[%dma_wait3A_497, %dma_wait3A_506, %dma_wait3A_507] : memref<3x32x1024xf32, #tpu.memory_space<vmem>> -> memref<1x32x1024xf32, #tpu.memory_space<vmem>>
    %dma_wait3A_509 = tpu.memref_squeeze %dma_wait3A_508 : memref<1x32x1024xf32, #tpu.memory_space<vmem>> -> memref<32x1024xf32, #tpu.memory_space<vmem>>
    tpu.wait_dma2 semaphore(%arg8 : memref<!tpu.dma_semaphore, #tpu.memory_space<semaphore_mem>>) src(%dma_wait3A_509 : memref<32x1024xf32, #tpu.memory_space<vmem>>) dst(%dma_wait3A_505 : memref<32x1024xf32, #tpu.memory_space<hbm>>)
    %dma_start3A_510 = arith.constant 2 : i32
    %dma_start3A_511 = arith.constant 0 : i32
    %dma_start3A_512 = arith.constant 0 : i32
    %dma_start3A_513 = tpu.memref_slice %arg6[%dma_start3A_510, %dma_start3A_511, %dma_start3A_512] : memref<3x32x1024xf32, #tpu.memory_space<vmem>> -> memref<1x32x1024xf32, #tpu.memory_space<vmem>>
    %dma_start3A_514 = tpu.memref_squeeze %dma_start3A_513 : memref<1x32x1024xf32, #tpu.memory_space<vmem>> -> memref<32x1024xf32, #tpu.memory_space<vmem>>
    %dma_start3A_515 = arith.constant 352 : i32
    %dma_start3A_516 = tpu.memref_slice %arg5[%dma_start3A_515] : memref<512xi32, #tpu.memory_space<vmem>> -> memref<32xi32, #tpu.memory_space<vmem>>
    %dma_start3A_517 = arith.constant 0 : i32
    %dma_start3A_518 = arith.constant 0 : i32
    %dma_start3A_519 = tpu.memref_slice %arg3[%dma_start3A_517, %dma_start3A_518] : memref<8192x1024xf32, #tpu.memory_space<hbm>> -> memref<8192x1024xf32, #tpu.memory_space<hbm>>
    tpu.enqueue_indirect_dma source(%dma_start3A_519 : memref<8192x1024xf32, #tpu.memory_space<hbm>>) target(%dma_start3A_514 : memref<32x1024xf32, #tpu.memory_space<vmem>>) offsets(%dma_start3A_516 : memref<32xi32, #tpu.memory_space<vmem>>) semaphore(%arg7 : memref<!tpu.dma_semaphore, #tpu.memory_space<semaphore_mem>>)
    %dma_wait3A_520 = arith.constant 1 : i32
    %dma_wait3A_521 = arith.constant 0 : i32
    %dma_wait3A_522 = arith.constant 0 : i32
    %dma_wait3A_523 = tpu.memref_slice %arg6[%dma_wait3A_520, %dma_wait3A_521, %dma_wait3A_522] : memref<3x32x1024xf32, #tpu.memory_space<vmem>> -> memref<1x32x1024xf32, #tpu.memory_space<vmem>>
    %dma_wait3A_524 = tpu.memref_squeeze %dma_wait3A_523 : memref<1x32x1024xf32, #tpu.memory_space<vmem>> -> memref<32x1024xf32, #tpu.memory_space<vmem>>
    %dma_wait3A_525 = arith.constant 320 : i32
    %dma_wait3A_526 = tpu.memref_slice %arg5[%dma_wait3A_525] : memref<512xi32, #tpu.memory_space<vmem>> -> memref<32xi32, #tpu.memory_space<vmem>>
    %dma_wait3A_527 = arith.constant 0 : i32
    %dma_wait3A_528 = arith.constant 0 : i32
    %dma_wait3A_529 = tpu.memref_slice %arg3[%dma_wait3A_527, %dma_wait3A_528] : memref<8192x1024xf32, #tpu.memory_space<hbm>> -> memref<8192x1024xf32, #tpu.memory_space<hbm>>
    tpu.wait_indirect_dma semaphore(%arg7 : memref<!tpu.dma_semaphore, #tpu.memory_space<semaphore_mem>>) src(%dma_wait3A_529 : memref<8192x1024xf32, #tpu.memory_space<hbm>>) dst(%dma_wait3A_524 : memref<32x1024xf32, #tpu.memory_space<vmem>>)
    %add3A_530 = arith.constant 320 : i32
    %add3A_531 = arith.addi %mul3A_2, %add3A_530 : i32
    %dma_start3A_532 = arith.constant 1 : i32
    %dma_start3A_533 = arith.constant 0 : i32
    %dma_start3A_534 = arith.constant 0 : i32
    %dma_start3A_535 = tpu.memref_slice %arg6[%dma_start3A_532, %dma_start3A_533, %dma_start3A_534] : memref<3x32x1024xf32, #tpu.memory_space<vmem>> -> memref<1x32x1024xf32, #tpu.memory_space<vmem>>
    %dma_start3A_536 = tpu.memref_squeeze %dma_start3A_535 : memref<1x32x1024xf32, #tpu.memory_space<vmem>> -> memref<32x1024xf32, #tpu.memory_space<vmem>>
    %dma_start3A_537 = arith.constant 0 : i32
    %dma_start3A_538 = tpu.memref_slice %arg4[%add3A_531, %dma_start3A_537] : memref<16384x1024xf32, #tpu.memory_space<hbm>> -> memref<32x1024xf32, #tpu.memory_space<hbm>>
    %dma_start3A_539 = arith.constant 0 : i32
    %dma_start3A_540 = tpu.memref_slice %arg4[%add3A_531, %dma_start3A_539] : memref<16384x1024xf32, #tpu.memory_space<hbm>> -> memref<32x1024xf32, #tpu.memory_space<hbm>>
    %dma_start3A_541 = arith.constant 0 : i32
    %dma_start3A_542 = arith.constant 0 : i32
    %dma_start3A_543 = tpu.memref_slice %arg6[%dma_start3A_532, %dma_start3A_541, %dma_start3A_542] : memref<3x32x1024xf32, #tpu.memory_space<vmem>> -> memref<1x32x1024xf32, #tpu.memory_space<vmem>>
    %dma_start3A_544 = tpu.memref_squeeze %dma_start3A_543 : memref<1x32x1024xf32, #tpu.memory_space<vmem>> -> memref<32x1024xf32, #tpu.memory_space<vmem>>
    tpu.enqueue_dma source(%dma_start3A_544 : memref<32x1024xf32, #tpu.memory_space<vmem>>) target(%dma_start3A_540 : memref<32x1024xf32, #tpu.memory_space<hbm>>) target_semaphore(%arg8 : memref<!tpu.dma_semaphore, #tpu.memory_space<semaphore_mem>>)
    %add3A_545 = arith.constant 288 : i32
    %add3A_546 = arith.addi %mul3A_2, %add3A_545 : i32
    %dma_wait3A_547 = arith.constant 0 : i32
    %dma_wait3A_548 = arith.constant 0 : i32
    %dma_wait3A_549 = arith.constant 0 : i32
    %dma_wait3A_550 = tpu.memref_slice %arg6[%dma_wait3A_547, %dma_wait3A_548, %dma_wait3A_549] : memref<3x32x1024xf32, #tpu.memory_space<vmem>> -> memref<1x32x1024xf32, #tpu.memory_space<vmem>>
    %dma_wait3A_551 = tpu.memref_squeeze %dma_wait3A_550 : memref<1x32x1024xf32, #tpu.memory_space<vmem>> -> memref<32x1024xf32, #tpu.memory_space<vmem>>
    %dma_wait3A_552 = arith.constant 0 : i32
    %dma_wait3A_553 = tpu.memref_slice %arg4[%add3A_546, %dma_wait3A_552] : memref<16384x1024xf32, #tpu.memory_space<hbm>> -> memref<32x1024xf32, #tpu.memory_space<hbm>>
    %dma_wait3A_554 = arith.constant 0 : i32
    %dma_wait3A_555 = tpu.memref_slice %arg4[%add3A_546, %dma_wait3A_554] : memref<16384x1024xf32, #tpu.memory_space<hbm>> -> memref<32x1024xf32, #tpu.memory_space<hbm>>
    %dma_wait3A_556 = arith.constant 0 : i32
    %dma_wait3A_557 = arith.constant 0 : i32
    %dma_wait3A_558 = tpu.memref_slice %arg6[%dma_wait3A_547, %dma_wait3A_556, %dma_wait3A_557] : memref<3x32x1024xf32, #tpu.memory_space<vmem>> -> memref<1x32x1024xf32, #tpu.memory_space<vmem>>
    %dma_wait3A_559 = tpu.memref_squeeze %dma_wait3A_558 : memref<1x32x1024xf32, #tpu.memory_space<vmem>> -> memref<32x1024xf32, #tpu.memory_space<vmem>>
    tpu.wait_dma2 semaphore(%arg8 : memref<!tpu.dma_semaphore, #tpu.memory_space<semaphore_mem>>) src(%dma_wait3A_559 : memref<32x1024xf32, #tpu.memory_space<vmem>>) dst(%dma_wait3A_555 : memref<32x1024xf32, #tpu.memory_space<hbm>>)
    %dma_start3A_560 = arith.constant 0 : i32
    %dma_start3A_561 = arith.constant 0 : i32
    %dma_start3A_562 = arith.constant 0 : i32
    %dma_start3A_563 = tpu.memref_slice %arg6[%dma_start3A_560, %dma_start3A_561, %dma_start3A_562] : memref<3x32x1024xf32, #tpu.memory_space<vmem>> -> memref<1x32x1024xf32, #tpu.memory_space<vmem>>
    %dma_start3A_564 = tpu.memref_squeeze %dma_start3A_563 : memref<1x32x1024xf32, #tpu.memory_space<vmem>> -> memref<32x1024xf32, #tpu.memory_space<vmem>>
    %dma_start3A_565 = arith.constant 384 : i32
    %dma_start3A_566 = tpu.memref_slice %arg5[%dma_start3A_565] : memref<512xi32, #tpu.memory_space<vmem>> -> memref<32xi32, #tpu.memory_space<vmem>>
    %dma_start3A_567 = arith.constant 0 : i32
    %dma_start3A_568 = arith.constant 0 : i32
    %dma_start3A_569 = tpu.memref_slice %arg3[%dma_start3A_567, %dma_start3A_568] : memref<8192x1024xf32, #tpu.memory_space<hbm>> -> memref<8192x1024xf32, #tpu.memory_space<hbm>>
    tpu.enqueue_indirect_dma source(%dma_start3A_569 : memref<8192x1024xf32, #tpu.memory_space<hbm>>) target(%dma_start3A_564 : memref<32x1024xf32, #tpu.memory_space<vmem>>) offsets(%dma_start3A_566 : memref<32xi32, #tpu.memory_space<vmem>>) semaphore(%arg7 : memref<!tpu.dma_semaphore, #tpu.memory_space<semaphore_mem>>)
    %dma_wait3A_570 = arith.constant 2 : i32
    %dma_wait3A_571 = arith.constant 0 : i32
    %dma_wait3A_572 = arith.constant 0 : i32
    %dma_wait3A_573 = tpu.memref_slice %arg6[%dma_wait3A_570, %dma_wait3A_571, %dma_wait3A_572] : memref<3x32x1024xf32, #tpu.memory_space<vmem>> -> memref<1x32x1024xf32, #tpu.memory_space<vmem>>
    %dma_wait3A_574 = tpu.memref_squeeze %dma_wait3A_573 : memref<1x32x1024xf32, #tpu.memory_space<vmem>> -> memref<32x1024xf32, #tpu.memory_space<vmem>>
    %dma_wait3A_575 = arith.constant 352 : i32
    %dma_wait3A_576 = tpu.memref_slice %arg5[%dma_wait3A_575] : memref<512xi32, #tpu.memory_space<vmem>> -> memref<32xi32, #tpu.memory_space<vmem>>
    %dma_wait3A_577 = arith.constant 0 : i32
    %dma_wait3A_578 = arith.constant 0 : i32
    %dma_wait3A_579 = tpu.memref_slice %arg3[%dma_wait3A_577, %dma_wait3A_578] : memref<8192x1024xf32, #tpu.memory_space<hbm>> -> memref<8192x1024xf32, #tpu.memory_space<hbm>>
    tpu.wait_indirect_dma semaphore(%arg7 : memref<!tpu.dma_semaphore, #tpu.memory_space<semaphore_mem>>) src(%dma_wait3A_579 : memref<8192x1024xf32, #tpu.memory_space<hbm>>) dst(%dma_wait3A_574 : memref<32x1024xf32, #tpu.memory_space<vmem>>)
    %add3A_580 = arith.constant 352 : i32
    %add3A_581 = arith.addi %mul3A_2, %add3A_580 : i32
    %dma_start3A_582 = arith.constant 2 : i32
    %dma_start3A_583 = arith.constant 0 : i32
    %dma_start3A_584 = arith.constant 0 : i32
    %dma_start3A_585 = tpu.memref_slice %arg6[%dma_start3A_582, %dma_start3A_583, %dma_start3A_584] : memref<3x32x1024xf32, #tpu.memory_space<vmem>> -> memref<1x32x1024xf32, #tpu.memory_space<vmem>>
    %dma_start3A_586 = tpu.memref_squeeze %dma_start3A_585 : memref<1x32x1024xf32, #tpu.memory_space<vmem>> -> memref<32x1024xf32, #tpu.memory_space<vmem>>
    %dma_start3A_587 = arith.constant 0 : i32
    %dma_start3A_588 = tpu.memref_slice %arg4[%add3A_581, %dma_start3A_587] : memref<16384x1024xf32, #tpu.memory_space<hbm>> -> memref<32x1024xf32, #tpu.memory_space<hbm>>
    %dma_start3A_589 = arith.constant 0 : i32
    %dma_start3A_590 = tpu.memref_slice %arg4[%add3A_581, %dma_start3A_589] : memref<16384x1024xf32, #tpu.memory_space<hbm>> -> memref<32x1024xf32, #tpu.memory_space<hbm>>
    %dma_start3A_591 = arith.constant 0 : i32
    %dma_start3A_592 = arith.constant 0 : i32
    %dma_start3A_593 = tpu.memref_slice %arg6[%dma_start3A_582, %dma_start3A_591, %dma_start3A_592] : memref<3x32x1024xf32, #tpu.memory_space<vmem>> -> memref<1x32x1024xf32, #tpu.memory_space<vmem>>
    %dma_start3A_594 = tpu.memref_squeeze %dma_start3A_593 : memref<1x32x1024xf32, #tpu.memory_space<vmem>> -> memref<32x1024xf32, #tpu.memory_space<vmem>>
    tpu.enqueue_dma source(%dma_start3A_594 : memref<32x1024xf32, #tpu.memory_space<vmem>>) target(%dma_start3A_590 : memref<32x1024xf32, #tpu.memory_space<hbm>>) target_semaphore(%arg8 : memref<!tpu.dma_semaphore, #tpu.memory_space<semaphore_mem>>)
    %add3A_595 = arith.constant 320 : i32
    %add3A_596 = arith.addi %mul3A_2, %add3A_595 : i32
    %dma_wait3A_597 = arith.constant 1 : i32
    %dma_wait3A_598 = arith.constant 0 : i32
    %dma_wait3A_599 = arith.constant 0 : i32
    %dma_wait3A_600 = tpu.memref_slice %arg6[%dma_wait3A_597, %dma_wait3A_598, %dma_wait3A_599] : memref<3x32x1024xf32, #tpu.memory_space<vmem>> -> memref<1x32x1024xf32, #tpu.memory_space<vmem>>
    %dma_wait3A_601 = tpu.memref_squeeze %dma_wait3A_600 : memref<1x32x1024xf32, #tpu.memory_space<vmem>> -> memref<32x1024xf32, #tpu.memory_space<vmem>>
    %dma_wait3A_602 = arith.constant 0 : i32
    %dma_wait3A_603 = tpu.memref_slice %arg4[%add3A_596, %dma_wait3A_602] : memref<16384x1024xf32, #tpu.memory_space<hbm>> -> memref<32x1024xf32, #tpu.memory_space<hbm>>
    %dma_wait3A_604 = arith.constant 0 : i32
    %dma_wait3A_605 = tpu.memref_slice %arg4[%add3A_596, %dma_wait3A_604] : memref<16384x1024xf32, #tpu.memory_space<hbm>> -> memref<32x1024xf32, #tpu.memory_space<hbm>>
    %dma_wait3A_606 = arith.constant 0 : i32
    %dma_wait3A_607 = arith.constant 0 : i32
    %dma_wait3A_608 = tpu.memref_slice %arg6[%dma_wait3A_597, %dma_wait3A_606, %dma_wait3A_607] : memref<3x32x1024xf32, #tpu.memory_space<vmem>> -> memref<1x32x1024xf32, #tpu.memory_space<vmem>>
    %dma_wait3A_609 = tpu.memref_squeeze %dma_wait3A_608 : memref<1x32x1024xf32, #tpu.memory_space<vmem>> -> memref<32x1024xf32, #tpu.memory_space<vmem>>
    tpu.wait_dma2 semaphore(%arg8 : memref<!tpu.dma_semaphore, #tpu.memory_space<semaphore_mem>>) src(%dma_wait3A_609 : memref<32x1024xf32, #tpu.memory_space<vmem>>) dst(%dma_wait3A_605 : memref<32x1024xf32, #tpu.memory_space<hbm>>)
    %dma_start3A_610 = arith.constant 1 : i32
    %dma_start3A_611 = arith.constant 0 : i32
    %dma_start3A_612 = arith.constant 0 : i32
    %dma_start3A_613 = tpu.memref_slice %arg6[%dma_start3A_610, %dma_start3A_611, %dma_start3A_612] : memref<3x32x1024xf32, #tpu.memory_space<vmem>> -> memref<1x32x1024xf32, #tpu.memory_space<vmem>>
    %dma_start3A_614 = tpu.memref_squeeze %dma_start3A_613 : memref<1x32x1024xf32, #tpu.memory_space<vmem>> -> memref<32x1024xf32, #tpu.memory_space<vmem>>
    %dma_start3A_615 = arith.constant 416 : i32
    %dma_start3A_616 = tpu.memref_slice %arg5[%dma_start3A_615] : memref<512xi32, #tpu.memory_space<vmem>> -> memref<32xi32, #tpu.memory_space<vmem>>
    %dma_start3A_617 = arith.constant 0 : i32
    %dma_start3A_618 = arith.constant 0 : i32
    %dma_start3A_619 = tpu.memref_slice %arg3[%dma_start3A_617, %dma_start3A_618] : memref<8192x1024xf32, #tpu.memory_space<hbm>> -> memref<8192x1024xf32, #tpu.memory_space<hbm>>
    tpu.enqueue_indirect_dma source(%dma_start3A_619 : memref<8192x1024xf32, #tpu.memory_space<hbm>>) target(%dma_start3A_614 : memref<32x1024xf32, #tpu.memory_space<vmem>>) offsets(%dma_start3A_616 : memref<32xi32, #tpu.memory_space<vmem>>) semaphore(%arg7 : memref<!tpu.dma_semaphore, #tpu.memory_space<semaphore_mem>>)
    %dma_wait3A_620 = arith.constant 0 : i32
    %dma_wait3A_621 = arith.constant 0 : i32
    %dma_wait3A_622 = arith.constant 0 : i32
    %dma_wait3A_623 = tpu.memref_slice %arg6[%dma_wait3A_620, %dma_wait3A_621, %dma_wait3A_622] : memref<3x32x1024xf32, #tpu.memory_space<vmem>> -> memref<1x32x1024xf32, #tpu.memory_space<vmem>>
    %dma_wait3A_624 = tpu.memref_squeeze %dma_wait3A_623 : memref<1x32x1024xf32, #tpu.memory_space<vmem>> -> memref<32x1024xf32, #tpu.memory_space<vmem>>
    %dma_wait3A_625 = arith.constant 384 : i32
    %dma_wait3A_626 = tpu.memref_slice %arg5[%dma_wait3A_625] : memref<512xi32, #tpu.memory_space<vmem>> -> memref<32xi32, #tpu.memory_space<vmem>>
    %dma_wait3A_627 = arith.constant 0 : i32
    %dma_wait3A_628 = arith.constant 0 : i32
    %dma_wait3A_629 = tpu.memref_slice %arg3[%dma_wait3A_627, %dma_wait3A_628] : memref<8192x1024xf32, #tpu.memory_space<hbm>> -> memref<8192x1024xf32, #tpu.memory_space<hbm>>
    tpu.wait_indirect_dma semaphore(%arg7 : memref<!tpu.dma_semaphore, #tpu.memory_space<semaphore_mem>>) src(%dma_wait3A_629 : memref<8192x1024xf32, #tpu.memory_space<hbm>>) dst(%dma_wait3A_624 : memref<32x1024xf32, #tpu.memory_space<vmem>>)
    %add3A_630 = arith.constant 384 : i32
    %add3A_631 = arith.addi %mul3A_2, %add3A_630 : i32
    %dma_start3A_632 = arith.constant 0 : i32
    %dma_start3A_633 = arith.constant 0 : i32
    %dma_start3A_634 = arith.constant 0 : i32
    %dma_start3A_635 = tpu.memref_slice %arg6[%dma_start3A_632, %dma_start3A_633, %dma_start3A_634] : memref<3x32x1024xf32, #tpu.memory_space<vmem>> -> memref<1x32x1024xf32, #tpu.memory_space<vmem>>
    %dma_start3A_636 = tpu.memref_squeeze %dma_start3A_635 : memref<1x32x1024xf32, #tpu.memory_space<vmem>> -> memref<32x1024xf32, #tpu.memory_space<vmem>>
    %dma_start3A_637 = arith.constant 0 : i32
    %dma_start3A_638 = tpu.memref_slice %arg4[%add3A_631, %dma_start3A_637] : memref<16384x1024xf32, #tpu.memory_space<hbm>> -> memref<32x1024xf32, #tpu.memory_space<hbm>>
    %dma_start3A_639 = arith.constant 0 : i32
    %dma_start3A_640 = tpu.memref_slice %arg4[%add3A_631, %dma_start3A_639] : memref<16384x1024xf32, #tpu.memory_space<hbm>> -> memref<32x1024xf32, #tpu.memory_space<hbm>>
    %dma_start3A_641 = arith.constant 0 : i32
    %dma_start3A_642 = arith.constant 0 : i32
    %dma_start3A_643 = tpu.memref_slice %arg6[%dma_start3A_632, %dma_start3A_641, %dma_start3A_642] : memref<3x32x1024xf32, #tpu.memory_space<vmem>> -> memref<1x32x1024xf32, #tpu.memory_space<vmem>>
    %dma_start3A_644 = tpu.memref_squeeze %dma_start3A_643 : memref<1x32x1024xf32, #tpu.memory_space<vmem>> -> memref<32x1024xf32, #tpu.memory_space<vmem>>
    tpu.enqueue_dma source(%dma_start3A_644 : memref<32x1024xf32, #tpu.memory_space<vmem>>) target(%dma_start3A_640 : memref<32x1024xf32, #tpu.memory_space<hbm>>) target_semaphore(%arg8 : memref<!tpu.dma_semaphore, #tpu.memory_space<semaphore_mem>>)
    %add3A_645 = arith.constant 352 : i32
    %add3A_646 = arith.addi %mul3A_2, %add3A_645 : i32
    %dma_wait3A_647 = arith.constant 2 : i32
    %dma_wait3A_648 = arith.constant 0 : i32
    %dma_wait3A_649 = arith.constant 0 : i32
    %dma_wait3A_650 = tpu.memref_slice %arg6[%dma_wait3A_647, %dma_wait3A_648, %dma_wait3A_649] : memref<3x32x1024xf32, #tpu.memory_space<vmem>> -> memref<1x32x1024xf32, #tpu.memory_space<vmem>>
    %dma_wait3A_651 = tpu.memref_squeeze %dma_wait3A_650 : memref<1x32x1024xf32, #tpu.memory_space<vmem>> -> memref<32x1024xf32, #tpu.memory_space<vmem>>
    %dma_wait3A_652 = arith.constant 0 : i32
    %dma_wait3A_653 = tpu.memref_slice %arg4[%add3A_646, %dma_wait3A_652] : memref<16384x1024xf32, #tpu.memory_space<hbm>> -> memref<32x1024xf32, #tpu.memory_space<hbm>>
    %dma_wait3A_654 = arith.constant 0 : i32
    %dma_wait3A_655 = tpu.memref_slice %arg4[%add3A_646, %dma_wait3A_654] : memref<16384x1024xf32, #tpu.memory_space<hbm>> -> memref<32x1024xf32, #tpu.memory_space<hbm>>
    %dma_wait3A_656 = arith.constant 0 : i32
    %dma_wait3A_657 = arith.constant 0 : i32
    %dma_wait3A_658 = tpu.memref_slice %arg6[%dma_wait3A_647, %dma_wait3A_656, %dma_wait3A_657] : memref<3x32x1024xf32, #tpu.memory_space<vmem>> -> memref<1x32x1024xf32, #tpu.memory_space<vmem>>
    %dma_wait3A_659 = tpu.memref_squeeze %dma_wait3A_658 : memref<1x32x1024xf32, #tpu.memory_space<vmem>> -> memref<32x1024xf32, #tpu.memory_space<vmem>>
    tpu.wait_dma2 semaphore(%arg8 : memref<!tpu.dma_semaphore, #tpu.memory_space<semaphore_mem>>) src(%dma_wait3A_659 : memref<32x1024xf32, #tpu.memory_space<vmem>>) dst(%dma_wait3A_655 : memref<32x1024xf32, #tpu.memory_space<hbm>>)
    %dma_start3A_660 = arith.constant 2 : i32
    %dma_start3A_661 = arith.constant 0 : i32
    %dma_start3A_662 = arith.constant 0 : i32
    %dma_start3A_663 = tpu.memref_slice %arg6[%dma_start3A_660, %dma_start3A_661, %dma_start3A_662] : memref<3x32x1024xf32, #tpu.memory_space<vmem>> -> memref<1x32x1024xf32, #tpu.memory_space<vmem>>
    %dma_start3A_664 = tpu.memref_squeeze %dma_start3A_663 : memref<1x32x1024xf32, #tpu.memory_space<vmem>> -> memref<32x1024xf32, #tpu.memory_space<vmem>>
    %dma_start3A_665 = arith.constant 448 : i32
    %dma_start3A_666 = tpu.memref_slice %arg5[%dma_start3A_665] : memref<512xi32, #tpu.memory_space<vmem>> -> memref<32xi32, #tpu.memory_space<vmem>>
    %dma_start3A_667 = arith.constant 0 : i32
    %dma_start3A_668 = arith.constant 0 : i32
    %dma_start3A_669 = tpu.memref_slice %arg3[%dma_start3A_667, %dma_start3A_668] : memref<8192x1024xf32, #tpu.memory_space<hbm>> -> memref<8192x1024xf32, #tpu.memory_space<hbm>>
    tpu.enqueue_indirect_dma source(%dma_start3A_669 : memref<8192x1024xf32, #tpu.memory_space<hbm>>) target(%dma_start3A_664 : memref<32x1024xf32, #tpu.memory_space<vmem>>) offsets(%dma_start3A_666 : memref<32xi32, #tpu.memory_space<vmem>>) semaphore(%arg7 : memref<!tpu.dma_semaphore, #tpu.memory_space<semaphore_mem>>)
    %dma_wait3A_670 = arith.constant 1 : i32
    %dma_wait3A_671 = arith.constant 0 : i32
    %dma_wait3A_672 = arith.constant 0 : i32
    %dma_wait3A_673 = tpu.memref_slice %arg6[%dma_wait3A_670, %dma_wait3A_671, %dma_wait3A_672] : memref<3x32x1024xf32, #tpu.memory_space<vmem>> -> memref<1x32x1024xf32, #tpu.memory_space<vmem>>
    %dma_wait3A_674 = tpu.memref_squeeze %dma_wait3A_673 : memref<1x32x1024xf32, #tpu.memory_space<vmem>> -> memref<32x1024xf32, #tpu.memory_space<vmem>>
    %dma_wait3A_675 = arith.constant 416 : i32
    %dma_wait3A_676 = tpu.memref_slice %arg5[%dma_wait3A_675] : memref<512xi32, #tpu.memory_space<vmem>> -> memref<32xi32, #tpu.memory_space<vmem>>
    %dma_wait3A_677 = arith.constant 0 : i32
    %dma_wait3A_678 = arith.constant 0 : i32
    %dma_wait3A_679 = tpu.memref_slice %arg3[%dma_wait3A_677, %dma_wait3A_678] : memref<8192x1024xf32, #tpu.memory_space<hbm>> -> memref<8192x1024xf32, #tpu.memory_space<hbm>>
    tpu.wait_indirect_dma semaphore(%arg7 : memref<!tpu.dma_semaphore, #tpu.memory_space<semaphore_mem>>) src(%dma_wait3A_679 : memref<8192x1024xf32, #tpu.memory_space<hbm>>) dst(%dma_wait3A_674 : memref<32x1024xf32, #tpu.memory_space<vmem>>)
    %add3A_680 = arith.constant 416 : i32
    %add3A_681 = arith.addi %mul3A_2, %add3A_680 : i32
    %dma_start3A_682 = arith.constant 1 : i32
    %dma_start3A_683 = arith.constant 0 : i32
    %dma_start3A_684 = arith.constant 0 : i32
    %dma_start3A_685 = tpu.memref_slice %arg6[%dma_start3A_682, %dma_start3A_683, %dma_start3A_684] : memref<3x32x1024xf32, #tpu.memory_space<vmem>> -> memref<1x32x1024xf32, #tpu.memory_space<vmem>>
    %dma_start3A_686 = tpu.memref_squeeze %dma_start3A_685 : memref<1x32x1024xf32, #tpu.memory_space<vmem>> -> memref<32x1024xf32, #tpu.memory_space<vmem>>
    %dma_start3A_687 = arith.constant 0 : i32
    %dma_start3A_688 = tpu.memref_slice %arg4[%add3A_681, %dma_start3A_687] : memref<16384x1024xf32, #tpu.memory_space<hbm>> -> memref<32x1024xf32, #tpu.memory_space<hbm>>
    %dma_start3A_689 = arith.constant 0 : i32
    %dma_start3A_690 = tpu.memref_slice %arg4[%add3A_681, %dma_start3A_689] : memref<16384x1024xf32, #tpu.memory_space<hbm>> -> memref<32x1024xf32, #tpu.memory_space<hbm>>
    %dma_start3A_691 = arith.constant 0 : i32
    %dma_start3A_692 = arith.constant 0 : i32
    %dma_start3A_693 = tpu.memref_slice %arg6[%dma_start3A_682, %dma_start3A_691, %dma_start3A_692] : memref<3x32x1024xf32, #tpu.memory_space<vmem>> -> memref<1x32x1024xf32, #tpu.memory_space<vmem>>
    %dma_start3A_694 = tpu.memref_squeeze %dma_start3A_693 : memref<1x32x1024xf32, #tpu.memory_space<vmem>> -> memref<32x1024xf32, #tpu.memory_space<vmem>>
    tpu.enqueue_dma source(%dma_start3A_694 : memref<32x1024xf32, #tpu.memory_space<vmem>>) target(%dma_start3A_690 : memref<32x1024xf32, #tpu.memory_space<hbm>>) target_semaphore(%arg8 : memref<!tpu.dma_semaphore, #tpu.memory_space<semaphore_mem>>)
    %add3A_695 = arith.constant 384 : i32
    %add3A_696 = arith.addi %mul3A_2, %add3A_695 : i32
    %dma_wait3A_697 = arith.constant 0 : i32
    %dma_wait3A_698 = arith.constant 0 : i32
    %dma_wait3A_699 = arith.constant 0 : i32
    %dma_wait3A_700 = tpu.memref_slice %arg6[%dma_wait3A_697, %dma_wait3A_698, %dma_wait3A_699] : memref<3x32x1024xf32, #tpu.memory_space<vmem>> -> memref<1x32x1024xf32, #tpu.memory_space<vmem>>
    %dma_wait3A_701 = tpu.memref_squeeze %dma_wait3A_700 : memref<1x32x1024xf32, #tpu.memory_space<vmem>> -> memref<32x1024xf32, #tpu.memory_space<vmem>>
    %dma_wait3A_702 = arith.constant 0 : i32
    %dma_wait3A_703 = tpu.memref_slice %arg4[%add3A_696, %dma_wait3A_702] : memref<16384x1024xf32, #tpu.memory_space<hbm>> -> memref<32x1024xf32, #tpu.memory_space<hbm>>
    %dma_wait3A_704 = arith.constant 0 : i32
    %dma_wait3A_705 = tpu.memref_slice %arg4[%add3A_696, %dma_wait3A_704] : memref<16384x1024xf32, #tpu.memory_space<hbm>> -> memref<32x1024xf32, #tpu.memory_space<hbm>>
    %dma_wait3A_706 = arith.constant 0 : i32
    %dma_wait3A_707 = arith.constant 0 : i32
    %dma_wait3A_708 = tpu.memref_slice %arg6[%dma_wait3A_697, %dma_wait3A_706, %dma_wait3A_707] : memref<3x32x1024xf32, #tpu.memory_space<vmem>> -> memref<1x32x1024xf32, #tpu.memory_space<vmem>>
    %dma_wait3A_709 = tpu.memref_squeeze %dma_wait3A_708 : memref<1x32x1024xf32, #tpu.memory_space<vmem>> -> memref<32x1024xf32, #tpu.memory_space<vmem>>
    tpu.wait_dma2 semaphore(%arg8 : memref<!tpu.dma_semaphore, #tpu.memory_space<semaphore_mem>>) src(%dma_wait3A_709 : memref<32x1024xf32, #tpu.memory_space<vmem>>) dst(%dma_wait3A_705 : memref<32x1024xf32, #tpu.memory_space<hbm>>)
    %dma_start3A_710 = arith.constant 0 : i32
    %dma_start3A_711 = arith.constant 0 : i32
    %dma_start3A_712 = arith.constant 0 : i32
    %dma_start3A_713 = tpu.memref_slice %arg6[%dma_start3A_710, %dma_start3A_711, %dma_start3A_712] : memref<3x32x1024xf32, #tpu.memory_space<vmem>> -> memref<1x32x1024xf32, #tpu.memory_space<vmem>>
    %dma_start3A_714 = tpu.memref_squeeze %dma_start3A_713 : memref<1x32x1024xf32, #tpu.memory_space<vmem>> -> memref<32x1024xf32, #tpu.memory_space<vmem>>
    %dma_start3A_715 = arith.constant 480 : i32
    %dma_start3A_716 = tpu.memref_slice %arg5[%dma_start3A_715] : memref<512xi32, #tpu.memory_space<vmem>> -> memref<32xi32, #tpu.memory_space<vmem>>
    %dma_start3A_717 = arith.constant 0 : i32
    %dma_start3A_718 = arith.constant 0 : i32
    %dma_start3A_719 = tpu.memref_slice %arg3[%dma_start3A_717, %dma_start3A_718] : memref<8192x1024xf32, #tpu.memory_space<hbm>> -> memref<8192x1024xf32, #tpu.memory_space<hbm>>
    tpu.enqueue_indirect_dma source(%dma_start3A_719 : memref<8192x1024xf32, #tpu.memory_space<hbm>>) target(%dma_start3A_714 : memref<32x1024xf32, #tpu.memory_space<vmem>>) offsets(%dma_start3A_716 : memref<32xi32, #tpu.memory_space<vmem>>) semaphore(%arg7 : memref<!tpu.dma_semaphore, #tpu.memory_space<semaphore_mem>>)
    %dma_wait3A_720 = arith.constant 2 : i32
    %dma_wait3A_721 = arith.constant 0 : i32
    %dma_wait3A_722 = arith.constant 0 : i32
    %dma_wait3A_723 = tpu.memref_slice %arg6[%dma_wait3A_720, %dma_wait3A_721, %dma_wait3A_722] : memref<3x32x1024xf32, #tpu.memory_space<vmem>> -> memref<1x32x1024xf32, #tpu.memory_space<vmem>>
    %dma_wait3A_724 = tpu.memref_squeeze %dma_wait3A_723 : memref<1x32x1024xf32, #tpu.memory_space<vmem>> -> memref<32x1024xf32, #tpu.memory_space<vmem>>
    %dma_wait3A_725 = arith.constant 448 : i32
    %dma_wait3A_726 = tpu.memref_slice %arg5[%dma_wait3A_725] : memref<512xi32, #tpu.memory_space<vmem>> -> memref<32xi32, #tpu.memory_space<vmem>>
    %dma_wait3A_727 = arith.constant 0 : i32
    %dma_wait3A_728 = arith.constant 0 : i32
    %dma_wait3A_729 = tpu.memref_slice %arg3[%dma_wait3A_727, %dma_wait3A_728] : memref<8192x1024xf32, #tpu.memory_space<hbm>> -> memref<8192x1024xf32, #tpu.memory_space<hbm>>
    tpu.wait_indirect_dma semaphore(%arg7 : memref<!tpu.dma_semaphore, #tpu.memory_space<semaphore_mem>>) src(%dma_wait3A_729 : memref<8192x1024xf32, #tpu.memory_space<hbm>>) dst(%dma_wait3A_724 : memref<32x1024xf32, #tpu.memory_space<vmem>>)
    %add3A_730 = arith.constant 448 : i32
    %add3A_731 = arith.addi %mul3A_2, %add3A_730 : i32
    %dma_start3A_732 = arith.constant 2 : i32
    %dma_start3A_733 = arith.constant 0 : i32
    %dma_start3A_734 = arith.constant 0 : i32
    %dma_start3A_735 = tpu.memref_slice %arg6[%dma_start3A_732, %dma_start3A_733, %dma_start3A_734] : memref<3x32x1024xf32, #tpu.memory_space<vmem>> -> memref<1x32x1024xf32, #tpu.memory_space<vmem>>
    %dma_start3A_736 = tpu.memref_squeeze %dma_start3A_735 : memref<1x32x1024xf32, #tpu.memory_space<vmem>> -> memref<32x1024xf32, #tpu.memory_space<vmem>>
    %dma_start3A_737 = arith.constant 0 : i32
    %dma_start3A_738 = tpu.memref_slice %arg4[%add3A_731, %dma_start3A_737] : memref<16384x1024xf32, #tpu.memory_space<hbm>> -> memref<32x1024xf32, #tpu.memory_space<hbm>>
    %dma_start3A_739 = arith.constant 0 : i32
    %dma_start3A_740 = tpu.memref_slice %arg4[%add3A_731, %dma_start3A_739] : memref<16384x1024xf32, #tpu.memory_space<hbm>> -> memref<32x1024xf32, #tpu.memory_space<hbm>>
    %dma_start3A_741 = arith.constant 0 : i32
    %dma_start3A_742 = arith.constant 0 : i32
    %dma_start3A_743 = tpu.memref_slice %arg6[%dma_start3A_732, %dma_start3A_741, %dma_start3A_742] : memref<3x32x1024xf32, #tpu.memory_space<vmem>> -> memref<1x32x1024xf32, #tpu.memory_space<vmem>>
    %dma_start3A_744 = tpu.memref_squeeze %dma_start3A_743 : memref<1x32x1024xf32, #tpu.memory_space<vmem>> -> memref<32x1024xf32, #tpu.memory_space<vmem>>
    tpu.enqueue_dma source(%dma_start3A_744 : memref<32x1024xf32, #tpu.memory_space<vmem>>) target(%dma_start3A_740 : memref<32x1024xf32, #tpu.memory_space<hbm>>) target_semaphore(%arg8 : memref<!tpu.dma_semaphore, #tpu.memory_space<semaphore_mem>>)
    %dma_wait3A_745 = arith.constant 0 : i32
    %dma_wait3A_746 = arith.constant 0 : i32
    %dma_wait3A_747 = arith.constant 0 : i32
    %dma_wait3A_748 = tpu.memref_slice %arg6[%dma_wait3A_745, %dma_wait3A_746, %dma_wait3A_747] : memref<3x32x1024xf32, #tpu.memory_space<vmem>> -> memref<1x32x1024xf32, #tpu.memory_space<vmem>>
    %dma_wait3A_749 = tpu.memref_squeeze %dma_wait3A_748 : memref<1x32x1024xf32, #tpu.memory_space<vmem>> -> memref<32x1024xf32, #tpu.memory_space<vmem>>
    %dma_wait3A_750 = arith.constant 480 : i32
    %dma_wait3A_751 = tpu.memref_slice %arg5[%dma_wait3A_750] : memref<512xi32, #tpu.memory_space<vmem>> -> memref<32xi32, #tpu.memory_space<vmem>>
    %dma_wait3A_752 = arith.constant 0 : i32
    %dma_wait3A_753 = arith.constant 0 : i32
    %dma_wait3A_754 = tpu.memref_slice %arg3[%dma_wait3A_752, %dma_wait3A_753] : memref<8192x1024xf32, #tpu.memory_space<hbm>> -> memref<8192x1024xf32, #tpu.memory_space<hbm>>
    tpu.wait_indirect_dma semaphore(%arg7 : memref<!tpu.dma_semaphore, #tpu.memory_space<semaphore_mem>>) src(%dma_wait3A_754 : memref<8192x1024xf32, #tpu.memory_space<hbm>>) dst(%dma_wait3A_749 : memref<32x1024xf32, #tpu.memory_space<vmem>>)
    %add3A_755 = arith.constant 480 : i32
    %add3A_756 = arith.addi %mul3A_2, %add3A_755 : i32
    %dma_start3A_757 = arith.constant 0 : i32
    %dma_start3A_758 = arith.constant 0 : i32
    %dma_start3A_759 = arith.constant 0 : i32
    %dma_start3A_760 = tpu.memref_slice %arg6[%dma_start3A_757, %dma_start3A_758, %dma_start3A_759] : memref<3x32x1024xf32, #tpu.memory_space<vmem>> -> memref<1x32x1024xf32, #tpu.memory_space<vmem>>
    %dma_start3A_761 = tpu.memref_squeeze %dma_start3A_760 : memref<1x32x1024xf32, #tpu.memory_space<vmem>> -> memref<32x1024xf32, #tpu.memory_space<vmem>>
    %dma_start3A_762 = arith.constant 0 : i32
    %dma_start3A_763 = tpu.memref_slice %arg4[%add3A_756, %dma_start3A_762] : memref<16384x1024xf32, #tpu.memory_space<hbm>> -> memref<32x1024xf32, #tpu.memory_space<hbm>>
    %dma_start3A_764 = arith.constant 0 : i32
    %dma_start3A_765 = tpu.memref_slice %arg4[%add3A_756, %dma_start3A_764] : memref<16384x1024xf32, #tpu.memory_space<hbm>> -> memref<32x1024xf32, #tpu.memory_space<hbm>>
    %dma_start3A_766 = arith.constant 0 : i32
    %dma_start3A_767 = arith.constant 0 : i32
    %dma_start3A_768 = tpu.memref_slice %arg6[%dma_start3A_757, %dma_start3A_766, %dma_start3A_767] : memref<3x32x1024xf32, #tpu.memory_space<vmem>> -> memref<1x32x1024xf32, #tpu.memory_space<vmem>>
    %dma_start3A_769 = tpu.memref_squeeze %dma_start3A_768 : memref<1x32x1024xf32, #tpu.memory_space<vmem>> -> memref<32x1024xf32, #tpu.memory_space<vmem>>
    tpu.enqueue_dma source(%dma_start3A_769 : memref<32x1024xf32, #tpu.memory_space<vmem>>) target(%dma_start3A_765 : memref<32x1024xf32, #tpu.memory_space<hbm>>) target_semaphore(%arg8 : memref<!tpu.dma_semaphore, #tpu.memory_space<semaphore_mem>>)
    %add3A_770 = arith.constant 416 : i32
    %add3A_771 = arith.addi %mul3A_2, %add3A_770 : i32
    %dma_wait3A_772 = arith.constant 1 : i32
    %dma_wait3A_773 = arith.constant 0 : i32
    %dma_wait3A_774 = arith.constant 0 : i32
    %dma_wait3A_775 = tpu.memref_slice %arg6[%dma_wait3A_772, %dma_wait3A_773, %dma_wait3A_774] : memref<3x32x1024xf32, #tpu.memory_space<vmem>> -> memref<1x32x1024xf32, #tpu.memory_space<vmem>>
    %dma_wait3A_776 = tpu.memref_squeeze %dma_wait3A_775 : memref<1x32x1024xf32, #tpu.memory_space<vmem>> -> memref<32x1024xf32, #tpu.memory_space<vmem>>
    %dma_wait3A_777 = arith.constant 0 : i32
    %dma_wait3A_778 = tpu.memref_slice %arg4[%add3A_771, %dma_wait3A_777] : memref<16384x1024xf32, #tpu.memory_space<hbm>> -> memref<32x1024xf32, #tpu.memory_space<hbm>>
    %dma_wait3A_779 = arith.constant 0 : i32
    %dma_wait3A_780 = tpu.memref_slice %arg4[%add3A_771, %dma_wait3A_779] : memref<16384x1024xf32, #tpu.memory_space<hbm>> -> memref<32x1024xf32, #tpu.memory_space<hbm>>
    %dma_wait3A_781 = arith.constant 0 : i32
    %dma_wait3A_782 = arith.constant 0 : i32
    %dma_wait3A_783 = tpu.memref_slice %arg6[%dma_wait3A_772, %dma_wait3A_781, %dma_wait3A_782] : memref<3x32x1024xf32, #tpu.memory_space<vmem>> -> memref<1x32x1024xf32, #tpu.memory_space<vmem>>
    %dma_wait3A_784 = tpu.memref_squeeze %dma_wait3A_783 : memref<1x32x1024xf32, #tpu.memory_space<vmem>> -> memref<32x1024xf32, #tpu.memory_space<vmem>>
    tpu.wait_dma2 semaphore(%arg8 : memref<!tpu.dma_semaphore, #tpu.memory_space<semaphore_mem>>) src(%dma_wait3A_784 : memref<32x1024xf32, #tpu.memory_space<vmem>>) dst(%dma_wait3A_780 : memref<32x1024xf32, #tpu.memory_space<hbm>>)
    %add3A_785 = arith.constant 448 : i32
    %add3A_786 = arith.addi %mul3A_2, %add3A_785 : i32
    %dma_wait3A_787 = arith.constant 2 : i32
    %dma_wait3A_788 = arith.constant 0 : i32
    %dma_wait3A_789 = arith.constant 0 : i32
    %dma_wait3A_790 = tpu.memref_slice %arg6[%dma_wait3A_787, %dma_wait3A_788, %dma_wait3A_789] : memref<3x32x1024xf32, #tpu.memory_space<vmem>> -> memref<1x32x1024xf32, #tpu.memory_space<vmem>>
    %dma_wait3A_791 = tpu.memref_squeeze %dma_wait3A_790 : memref<1x32x1024xf32, #tpu.memory_space<vmem>> -> memref<32x1024xf32, #tpu.memory_space<vmem>>
    %dma_wait3A_792 = arith.constant 0 : i32
    %dma_wait3A_793 = tpu.memref_slice %arg4[%add3A_786, %dma_wait3A_792] : memref<16384x1024xf32, #tpu.memory_space<hbm>> -> memref<32x1024xf32, #tpu.memory_space<hbm>>
    %dma_wait3A_794 = arith.constant 0 : i32
    %dma_wait3A_795 = tpu.memref_slice %arg4[%add3A_786, %dma_wait3A_794] : memref<16384x1024xf32, #tpu.memory_space<hbm>> -> memref<32x1024xf32, #tpu.memory_space<hbm>>
    %dma_wait3A_796 = arith.constant 0 : i32
    %dma_wait3A_797 = arith.constant 0 : i32
    %dma_wait3A_798 = tpu.memref_slice %arg6[%dma_wait3A_787, %dma_wait3A_796, %dma_wait3A_797] : memref<3x32x1024xf32, #tpu.memory_space<vmem>> -> memref<1x32x1024xf32, #tpu.memory_space<vmem>>
    %dma_wait3A_799 = tpu.memref_squeeze %dma_wait3A_798 : memref<1x32x1024xf32, #tpu.memory_space<vmem>> -> memref<32x1024xf32, #tpu.memory_space<vmem>>
    tpu.wait_dma2 semaphore(%arg8 : memref<!tpu.dma_semaphore, #tpu.memory_space<semaphore_mem>>) src(%dma_wait3A_799 : memref<32x1024xf32, #tpu.memory_space<vmem>>) dst(%dma_wait3A_795 : memref<32x1024xf32, #tpu.memory_space<hbm>>)
    %add3A_800 = arith.constant 480 : i32
    %add3A_801 = arith.addi %mul3A_2, %add3A_800 : i32
    %dma_wait3A_802 = arith.constant 0 : i32
    %dma_wait3A_803 = arith.constant 0 : i32
    %dma_wait3A_804 = arith.constant 0 : i32
    %dma_wait3A_805 = tpu.memref_slice %arg6[%dma_wait3A_802, %dma_wait3A_803, %dma_wait3A_804] : memref<3x32x1024xf32, #tpu.memory_space<vmem>> -> memref<1x32x1024xf32, #tpu.memory_space<vmem>>
    %dma_wait3A_806 = tpu.memref_squeeze %dma_wait3A_805 : memref<1x32x1024xf32, #tpu.memory_space<vmem>> -> memref<32x1024xf32, #tpu.memory_space<vmem>>
    %dma_wait3A_807 = arith.constant 0 : i32
    %dma_wait3A_808 = tpu.memref_slice %arg4[%add3A_801, %dma_wait3A_807] : memref<16384x1024xf32, #tpu.memory_space<hbm>> -> memref<32x1024xf32, #tpu.memory_space<hbm>>
    %dma_wait3A_809 = arith.constant 0 : i32
    %dma_wait3A_810 = tpu.memref_slice %arg4[%add3A_801, %dma_wait3A_809] : memref<16384x1024xf32, #tpu.memory_space<hbm>> -> memref<32x1024xf32, #tpu.memory_space<hbm>>
    %dma_wait3A_811 = arith.constant 0 : i32
    %dma_wait3A_812 = arith.constant 0 : i32
    %dma_wait3A_813 = tpu.memref_slice %arg6[%dma_wait3A_802, %dma_wait3A_811, %dma_wait3A_812] : memref<3x32x1024xf32, #tpu.memory_space<vmem>> -> memref<1x32x1024xf32, #tpu.memory_space<vmem>>
    %dma_wait3A_814 = tpu.memref_squeeze %dma_wait3A_813 : memref<1x32x1024xf32, #tpu.memory_space<vmem>> -> memref<32x1024xf32, #tpu.memory_space<vmem>>
    tpu.wait_dma2 semaphore(%arg8 : memref<!tpu.dma_semaphore, #tpu.memory_space<semaphore_mem>>) src(%dma_wait3A_814 : memref<32x1024xf32, #tpu.memory_space<vmem>>) dst(%dma_wait3A_810 : memref<32x1024xf32, #tpu.memory_space<hbm>>)
    return
  }
}

</mosaic_0001>

<sc_bundles>
// kernel: kernel.3.cloned.1.call-start
scs
__scs_entry_jumppad:
0x0: {  	(pc) =	sbr.rel $0x88, $3  }
0x1: {  	(tag) =	ssettag $0x0;
	lr =	simm.s32 $0x1  }
0x2: {  	[smem:$0x3F9F] =	sst lr;
	_ =	strace $0xD0000000  }
0x3: {  	_ = 	snop  }
0x4: {  	_ = 	snop  }
0x5: {  	_ = 	snop  }
0x6: {  	_ = 	snop  }
0x7: {  	_ = 	snop  }
__scs_overlays_trampoline_lowered:
0x8: {  	[smem:$0x3FAE] =	sst s0  }
0x9: {  	[smem:$0x3FAF] =	sst s1  }
0xa: {  	[smem:$0x3FB0] =	sst s2  }
0xb: {  	[smem:$0x3FB1] =	sst s3  }
0xc: {  	[smem:$0x3FB2] =	sst s4  }
0xd: {  	[smem:$0x3FB3] =	sst s5  }
0xe: {  	[smem:$0x3FB4] =	sst s6  }
0xf: {  	[smem:$0x3FB5] =	sst s7  }
0x10: {  	[smem:$0x3FB6] =	sst s8  }
0x11: {  	[smem:$0x3FB7] =	sst s9;
	s0 =	simm.s32 @!p0 $0x0  }
0x12: {  	s1 =	sld [smem:$0x3F9D];
	s0 =	simm.s32 @p0 $0x1  }
0x13: {  	[smem:$0x3FB8] =	sst s0;
	s0 =	simm.s32 @!p1 $0x0  }
0x14: {  	s2 =	sld [smem:$0x3F9C];
	s0 =	simm.s32 @p1 $0x1  }
0x15: {  	[smem:$0x3FB9] =	sst s0;
	s0 =	simm.s32 @!p2 $0x0  }
0x16: {  	s3 =	sld [smem:$0x3FDB];
	s0 =	simm.s32 @p2 $0x1  }
0x17: {  	s4 =	simm.s32 $0x1BF5;
	[smem:$0x3FBB] =	sst s0  }
0x18: {  	s0 =	sld [smem:$0x3F9E];
	_ =	swait.ge [sflag:s4], $0x0  }
0x19: {  	s7 =	sld [smem:$0x3F9F]  }
0x1a: {  	s8 =	sadd.s32 $0xFFFFE003, lr  }
0x1b: {  	s9 =	sadd.s32 $0xFFFFFEF7, lr;
	s5 =	simm.s32 $0xFFFFFFFF;
	p2 =	slt.u32 s8, $0xFFFFF086  }
0x1c: {  	p1 =	slt.u32 s9, $0xF7A;
	s5 =	simm.s32 @!p2 $0x0  }
0x1d: {  	s5 =	simm.s32 @p1 $0x1;
	p0 =	seq.s32 s7, s2  }
0x1e: {  	s7 =	smul.u32 @!p0 $0xF7A, s2;
	p2 =	seq.s32 @!p0 s5, $0x0  }
0x1f: {  	s9 =	smul.u32 $0xF7A, s1;
	s8 =	simm.s32 @!p0 $0x1BF5;
	p2 =	por !p2, p0  }
0x20: {  	[sflag:s8] =	ssyncset.s32 @!p0 $0xFFFFF086;
	s6 =	sadd.s32 @!p0 s3, s7;
	s7 =	simm.s32 @!p0 $0x108  }
0x21: {  	s3 =	sadd.s32 s3, s9;
	s6 =	sadd.s32 @!p0 $0x88, s6;
	s7 =	simm.s32 @p2 $0x1082  }
0x22: {  	[simem:s7], [sflag:s8] =	dma.local @!p0 [hbm:s6], $0xF7A  }
0x23: {  	s9 =	sor.u32 $0xD0000000, s2;
	s6 =	simm.s32 $0x108;
	_ =	swait.ge @!p0 [sflag:s8], $0x0  }
0x24: {  	s3 =	sadd.s32 $0x88, s3;
	s6 =	simm.s32 @!p1 $0x1082;
	[sflag:s4] =	ssyncset.s32 $0xFFFFF086  }
0x25: {  	[simem:s6], [sflag:s4] =	dma.local [hbm:s3], $0xF7A  }
0x26: {  	[smem:$0x3F9F] =	sst s1;
	(tag) =	ssettag s2;
	_ =	strace s9  }
0x27: {  	s1 =	sld [smem:$0x3FAF]  }
0x28: {  	s2 =	sld [smem:$0x3FB0]  }
0x29: {  	s4 =	sld [smem:$0x3FB2]  }
0x2a: {  	p0 =	seq.s32 s5, $0x0;
	s5 =	sld [smem:$0x3FB3]  }
0x2b: {  	s6 =	sld [smem:$0x3FB4]  }
0x2c: {  	s7 =	sld [smem:$0x3FB5]  }
0x2d: {  	s3 =	simm.s32 $0x108;
	s8 =	sld [smem:$0x3FB6]  }
0x2e: {  	s3 =	simm.s32 @!p0 $0x1082;
	s9 =	sld [smem:$0x3FB7]  }
0x2f: {  	lr =	sadd.s32 s0, s3;
	s0 =	sld [smem:$0x3FAE]  }
0x30: {  	s3 =	sld [smem:$0x3FB1]  }
0x31: {  	[smem:$0x3FBA] =	sst s10  }
0x32: {  	s10 =	sld [smem:$0x3FB8];
	_ =	sdelay $0x3  }
0x33: {  	p0 =	seq.s32 s10, $0x1;
	s10 =	sld [smem:$0x3FBA];
	_ =	sdelay $0x3  }
0x34: {  	[smem:$0x3FBA] =	sst s10  }
0x35: {  	s10 =	sld [smem:$0x3FB9];
	_ =	sdelay $0x3  }
0x36: {  	p1 =	seq.s32 s10, $0x1;
	s10 =	sld [smem:$0x3FBA];
	_ =	sdelay $0x3  }
0x37: {  	[smem:$0x3FBA] =	sst s10  }
0x38: {  	s10 =	sld [smem:$0x3FBB]  }
0x39: {  	_ = 	snop;
	(pc) =	sbr.ind lr, $3  }
0x3a: {  	_ = 	snop  }
0x3b: {  	_ = 	snop  }
0x3c: {  	p2 =	seq.s32 s10, $0x1;
	s10 =	sld [smem:$0x3FBA]  }
0x3d: {  	_ =	shalt  }
0x3e: {  	_ =	shalt  }
0x3f: {  	_ =	shalt  }
0x40: {  	_ =	shalt  }
0x41: {  	_ =	shalt  }
0x42: {  	_ =	shalt  }
0x43: {  	_ =	shalt  }
0x44: {  	_ =	shalt  }
0x45: {  	_ =	shalt  }
0x46: {  	_ =	shalt  }
0x47: {  	_ =	shalt  }
0x48: {  	_ =	shalt  }
0x49: {  	_ =	shalt  }
0x4a: {  	_ =	shalt  }
0x4b: {  	_ =	shalt  }
0x4c: {  	_ =	shalt  }
0x4d: {  	_ =	shalt  }
0x4e: {  	_ =	shalt  }
0x4f: {  	_ =	shalt  }
0x50: {  	_ =	shalt  }
0x51: {  	_ =	shalt  }
0x52: {  	_ =	shalt  }
0x53: {  	_ =	shalt  }
0x54: {  	_ =	shalt  }
0x55: {  	_ =	shalt  }
0x56: {  	_ =	shalt  }
0x57: {  	_ =	shalt  }
0x58: {  	_ =	shalt  }
0x59: {  	_ =	shalt  }
0x5a: {  	_ =	shalt  }
0x5b: {  	_ =	shalt  }
0x5c: {  	_ =	shalt  }
0x5d: {  	_ =	shalt  }
0x5e: {  	_ =	shalt  }
0x5f: {  	_ =	shalt  }
0x60: {  	_ =	shalt  }
0x61: {  	_ =	shalt  }
0x62: {  	_ =	shalt  }
0x63: {  	_ =	shalt  }
0x64: {  	_ =	shalt  }
0x65: {  	_ =	shalt  }
0x66: {  	_ =	shalt  }
0x67: {  	_ =	shalt  }
0x68: {  	_ =	shalt  }
0x69: {  	_ =	shalt  }
0x6a: {  	_ =	shalt  }
0x6b: {  	_ =	shalt  }
0x6c: {  	_ =	shalt  }
0x6d: {  	_ =	shalt  }
0x6e: {  	_ =	shalt  }
0x6f: {  	_ =	shalt  }
0x70: {  	_ =	shalt  }
0x71: {  	_ =	shalt  }
0x72: {  	_ =	shalt  }
0x73: {  	_ =	shalt  }
0x74: {  	_ =	shalt  }
0x75: {  	_ =	shalt  }
0x76: {  	_ =	shalt  }
0x77: {  	_ =	shalt  }
0x78: {  	_ =	shalt  }
0x79: {  	_ =	shalt  }
0x7a: {  	_ =	shalt  }
0x7b: {  	_ =	shalt  }
0x7c: {  	_ =	shalt  }
0x7d: {  	_ =	shalt  }
0x7e: {  	_ =	shalt  }
0x7f: {  	_ =	shalt  }
0x80: {  	_ =	shalt  }
0x81: {  	_ =	shalt  }
0x82: {  	_ =	shalt  }
0x83: {  	_ =	shalt  }
0x84: {  	_ =	shalt  }
0x85: {  	_ =	shalt  }
0x86: {  	_ =	shalt  }
0x87: {  	_ =	shalt  }
.Lfunc_end0:
.L_simem_size_0:
called_computation_lowered:
.L_overlay_start_0:
0x88: {  	s2 =	sld [smem:$0x3FD9]  }
0x89: {  	s3 =	sld [smem:$0x3FFE];
	_ =	sdelay $0x1  }
0x8a: {  	s1 =	srdreg.scid  }
0x8b: {  	s0 =	sand.u32 $0x1, s1  }
0x8c: {  	s17 =	sshll.u32 s0, $0xA;
	s2 =	sadd.s32 s3, s2  }
0x8d: {  	s2 =	sadd.s32 s2, s17  }
0x8e: {  	[smem:$0x3FC6] =	sst s2  }
0x8f: {  	_ = 	snop  }
0x90: {  	s2 =	sld [smem:$0x3FC8]  }
0x91: {  	s18 =	sld [smem:$0x3FD0];
	(tm) =	ssettm $0x1  }
0x92: {  	s4 =	sld [smem:$0x3FFB];
	_ =	sdelay $0x3  }
0x93: {  	_ =	strace s4  }
0x94: {  	s4 =	sld [smem:$0x3FFC];
	_ =	sdelay $0x3  }
0x95: {  	_ =	strace s4  }
0x96: {  	s4 =	sld [smem:$0x3FFD];
	_ =	sdelay $0x3  }
0x97: {  	_ =	strace s4  }
0x98: {  	_ =	strace $0x8FFFFFFF  }
0x99: {  	s19 =	sld [smem:$0x3FDB];
	_ =	sdelay $0x1  }
0x9a: {  	s5 =	simm.s32 $_scs_section_size  }
0x9b: {  	s6 =	simm.s32 $_size__tile_overlayer_lowered;
	s7 =	simm.s32 $_tile_overlayer_lowered  }
0x9c: {  	s22 =	simm.s32 $0x1BFF;
	s21 =	sshll.u32 s7, $0x1;
	s4 =	sadd.s32 s5, s19  }
0x9d: {  	s8 =	simm.s32 $0x0;
	s20 =	sshll.u32 s6, $0x1;
	s6 =	sadd.s32 s21, s4  }
0x9e: {  	[timem:s8], [sflag:s22] =	dma.local [hbm:s6], s20  }
0x9f: {  	_ =	swait.ge [sflag:s22], s20  }
0xa0: {  	s5 =	ssub.s32 $0x0, s20;
	[sflag:s22] =	ssyncset.done $0x0  }
0xa1: {  	[sflag:s22] =	ssyncadd.s32 s5;
	_ =	sdelay $0x1  }
0xa2: {  	s23 =	simm.s32 $0x1B8B  }
0xa3: {  	_ =	swait.ge [sflag:s23], $0x1  }
0xa4: {  	[sflag:s23] =	ssyncset.done $0x0  }
0xa5: {  	s25 =	simm.s32 $0x1B8E;
	s24 =	sld [smem:$0x3FFE];
	[sflag:s23] =	ssyncadd.s32 $0xFFFFFFFF  }
0xa6: {  	s26 =	simm.s32 $execute0_lowered;
	[smem:$0x3FD2] =	sst s25  }
0xa7: {  	s6 =	sshll.u32 s26, $0x1;
	_ =	strace $0x80000046;
	[dreg:$0x1] =	wrdreg $0xFFFFFFFF  }
0xa8: {  	s28 =	simm.s32 $_size_execute0_lowered;
	s4 =	sadd.s32 s4, s6;
	[dreg:$0x0] =	wrdreg $0x0  }
0xa9: {  	s6 =	sshll.u32 s28, $0x1;
	[dreg:$0x2] =	wrdreg s4  }
0xaa: {  	[dreg:$0x3] =	wrdreg s6  }
0xab: {  	[dreg:$0x4] =	wrdreg $0xC0  }
0xac: {  	_ =	task [dreg:s8], $0x5FFFF  }
0xad: {  	[dreg:$0x1] =	wrdreg $0xFFFFFFFF  }
0xae: {  	[dreg:$0x0] =	wrdreg $0x60  }
0xaf: {  	[dreg:$0x2] =	wrdreg s24  }
0xb0: {  	[dreg:$0x3] =	wrdreg s2  }
0xb1: {  	[dreg:$0x4] =	wrdreg s18  }
0xb2: {  	[dreg:$0x5] =	wrdreg $0x9  }
0xb3: {  	_ =	task.clear_ibuf [dreg:s8], $0x6FFFF;
	_ =	strace $0x90000046  }
0xb4: {  	s29 =	simm.s32 $0x9;
	_ =	strace $0x80000048  }
0xb5: {  	_ =	swait.ge [sflag:s29], $0x1  }
0xb6: {  	[sflag:s29] =	ssyncadd.s32 $0xFFFFFFFF  }
0xb7: {  	_ =	strace $0x90000048  }
0xb8: {  	_ =	sfence  }
0xb9: {  	s30 =	sld [smem:$0x0];
	_ =	sdelay $0x2  }
0xba: {  	s31 =	sshll.u32 s1, $0xD;
	s1 =	sshrl.u32 s1, $0x2  }
0xbb: {  	s3 =	sand.u32 $0x4000, s31;
	s1 =	sadd.s32 s1, s30  }
0xbc: {  	s0 =	sor.u32 s3, s0;
	s1 =	sshll.u32 s1, $0x11  }
0xbd: {  	s0 =	sor.u32 s1, s0  }
0xbe: {  	s0 =	sadd.s32 $0x8F2B, s0  }
0xbf: {  	[sflag:s0] =	ssyncadd.remote.s32 $0x1  }
0xc0: {  	_ =	sfence.sel $0xFFFF  }
0xc1: {  	[dreg:$0x0] =	wrdreg $0xFFFFFFFF;
	(pc) =	sbr.abs _section_cstart, $3  }
0xc2: {  	[dreg:$0x1] =	wrdreg $0xFFFFFFFF  }
0xc3: {  	_ =	task.clear_ibuf [dreg:s8], $0x2FFFF;
	_ =	strace $0x9FFFFFFF  }
0xc4: {  	(tm) =	ssettm $0x7FFFFFFF  }
0xc5: {  	_ =	shalt  }
tec
execute0_lowered:
.L_overlay_start_1:
0x0: {  	(tag) =	ssettag $0x1  }
0x1: {  	s0 =	rddreg [dreg:$0x0]  }
0x2: {  	s1 =	rddreg [dreg:$0x1]  }
0x3: {  	s2 =	rddreg [dreg:$0x2];
	s4 =	srdreg.scid  }
0x4: {  	s3 =	simm.s32 $0x0;
	s5 =	stileid.u32;
	s4 =	sand.u32 $0x1, s4  }
0x5: {  	s31 =	simm.s32 $0x40;
	s5 =	sshll.u32 s5, $0xA;
	s6 =	sshll.u32 s4, $0x9  }
0x6: {  	[smem:$0x7FF] =	sst s3;
	s0 =	sadd.s32 $0x400, s0;
	s5 =	sor.u32 s6, s5  }
0x7: {  	_ =	strace $0x80000047;
	[dreg:$0x15] =	wrdreg s31;
	s6 =	sshrl.u32 s5, $0x3  }
0x8: {  	s7 =	sor.u32 $0x40, s5;
	s5 =	sshll.u32 s5, $0x7;
	s6 =	sadd.s32 s0, s6  }
0x9: {  	s8 =	sshrl.u32 s7, $0x3;
	s11 =	sadd.s32 s2, s5;
	[dreg:$0x4] =	wrdreg s6  }
0xa: {  	s0 =	sadd.s32 s0, s8;
	[dreg:$0x16] =	wrdreg s11  }
0xb: {  	s13 =	sshll.u32 s7, $0x7;
	s12 =	sadd.s32 $0x1000, s11;
	[dreg:$0x5] =	wrdreg s0  }
0xc: {  	s14 =	sadd.s32 s2, s13;
	[dreg:$0x6] =	wrdreg s12  }
0xd: {  	s15 =	sadd.s32 $0x3000, s11;
	[dreg:$0x7] =	wrdreg s14  }
0xe: {  	s16 =	sadd.s32 $0x4000, s11;
	[dreg:$0x8] =	wrdreg s15  }
0xf: {  	s17 =	sadd.s32 $0x5000, s11;
	[dreg:$0x9] =	wrdreg s16  }
0x10: {  	s18 =	sadd.s32 $0x6000, s11;
	[dreg:$0xa] =	wrdreg s17  }
0x11: {  	s19 =	sadd.s32 $0x7000, s11;
	[dreg:$0xb] =	wrdreg s18  }
0x12: {  	s20 =	sadd.s32 $0x8000, s11;
	[dreg:$0xc] =	wrdreg s19  }
0x13: {  	s10 =	simm.s32 $0x200;
	s21 =	sadd.s32 $0x9000, s11;
	[dreg:$0xd] =	wrdreg s20  }
0x14: {  	s9 =	simm.s32 $0x1;
	s22 =	sadd.s32 $0xA000, s11;
	[dreg:$0xe] =	wrdreg s21  }
0x15: {  	s28 =	simm.s32 $0x8200;
	s24 =	sadd.s32 $0xB000, s11;
	[dreg:$0xf] =	wrdreg s22  }
0x16: {  	s23 =	ssub.s32 $0x2, s4;
	s25 =	sadd.s32 $0xC000, s11;
	[dreg:$0x10] =	wrdreg s24  }
0x17: {  	s4 =	sshrl.u32 s23, $0x1;
	s26 =	sadd.s32 $0xD000, s11;
	[dreg:$0x11] =	wrdreg s25  }
0x18: {  	s5 =	sadd.s32 $0x100, s1;
	s29 =	sadd.s32 $0xE000, s11;
	[dreg:$0x12] =	wrdreg s26  }
0x19: {  	v2 =	vlaneseq.u32;
	s7 =	sadd.s32 $0x300, s1;
	s30 =	sadd.s32 $0xF000, s11;
	[dreg:$0x13] =	wrdreg s29  }
0x1a: {  	vm0 =	vmmov $0xffff;
	v1 =	vshrl.u32 v2, $0x3;
	s2 =	ssub.s32 s23, s4;
	s6 =	sadd.s32 $0x200, s1;
	[dreg:$0x14] =	wrdreg s30  }
0x1b: {  	v0 =	vand.u32 $0x7, v2;
	v2 =	vor.u32 $0x8, v2;
	v1 =	vmul.u32 $0x8, v1;
	s8 =	smax.u32 s2, $0x1;
	s24 =	simm.s32 $0x10200;
	s0 =	simm.s32 $0x2  }
.LBB2_1:
0x1c: {  	s2 =	rddreg [dreg:$0x4];
	s29 =	simm.s32 $0x4  }
0x1d: {  	[tilespmem:s3], [sflag:$0x4] =	stream.linear.gather [hbm4b:s2+s3], $0x40, $0x38;
	[tilespmem:$0x18200] =	vst v63  }
0x1e: {  	_ =	swait.ge [sflag:s29], $0x40  }
0x1f: {  	s19 =	rddreg [dreg:$0x5];
	[sflag:s29] =	ssyncset.done $0x0  }
0x20: {  	s4 =	rddreg [dreg:$0x15];
	[sflag:s29] =	ssyncadd.s32 $0xFFFFFFC0  }
0x21: {  	[tilespmem:s4], [sflag:$0x3] =	stream.linear.gather [hbm4b:s19+s3], $0x1C0, $0x38;
	[tilespmem:$0x18200] =	vst v63  }
0x22: {  	v3 =	vld [tilespmem:$0x0];
	_ =	sdelay $0x4  }
0x23: {  	v4 =	vshll.u32 v3, $0x3  }
0x24: {  	v3 =	vand.u32 $0x7, v3;
	v4 =	vand.u32 $0xFFFFFFC0, v4  }
0x25: {  	v3 =	vor.u32 v3, v4  }
0x26: {  	v4 =	vperm.xlane v3, v0;
	_ =	sdelay $0x1  }
0x27: {  	v4 =	vadd.s32 v1, v4;
	_ =	sdelay $0x4  }
0x28: {  	[tilespmem:s10], [sflag:$0x1] =	stream.indirect_vreg.gather [hbm4b:s1+s3], $0x80, v4, vm0, $0xb8;
	[tilespmem:$0x18200] =	vst v63  }
0x29: {  	s20 =	simm.s32 $0xA00;
	v3 =	vperm.xlane v3, v2  }
0x2a: {  	[tilespmem:s20], [sflag:$0x1] =	stream.indirect_vreg.gather [hbm4b:s5+s3], $0x80, v4, vm0, $0xb8;
	[tilespmem:$0x18200] =	vst v63  }
0x2b: {  	s21 =	simm.s32 $0x1200;
	v3 =	vadd.s32 v1, v3  }
0x2c: {  	[tilespmem:s21], [sflag:$0x1] =	stream.indirect_vreg.gather [hbm4b:s6+s3], $0x80, v4, vm0, $0xb8;
	[tilespmem:$0x18200] =	vst v63  }
0x2d: {  	s22 =	simm.s32 $0x1A00  }
0x2e: {  	[tilespmem:s22], [sflag:$0x1] =	stream.indirect_vreg.gather [hbm4b:s7+s3], $0x80, v4, vm0, $0xb8;
	[tilespmem:$0x18200] =	vst v63  }
0x2f: {  	s23 =	simm.s32 $0x2200  }
0x30: {  	[tilespmem:s23], [sflag:$0x1] =	stream.indirect_vreg.gather [hbm4b:s1+s3], $0x80, v3, vm0, $0xb8;
	[tilespmem:$0x18200] =	vst v63  }
0x31: {  	s25 =	simm.s32 $0x2A00  }
0x32: {  	[tilespmem:s25], [sflag:$0x1] =	stream.indirect_vreg.gather [hbm4b:s5+s3], $0x80, v3, vm0, $0xb8;
	[tilespmem:$0x18200] =	vst v63  }
0x33: {  	s29 =	simm.s32 $0x3200  }
0x34: {  	[tilespmem:s29], [sflag:$0x1] =	stream.indirect_vreg.gather [hbm4b:s6+s3], $0x80, v3, vm0, $0xb8;
	[tilespmem:$0x18200] =	vst v63  }
0x35: {  	s30 =	simm.s32 $0x3A00  }
0x36: {  	[tilespmem:s30], [sflag:$0x1] =	stream.indirect_vreg.gather [hbm4b:s7+s3], $0x80, v3, vm0, $0xb8;
	[tilespmem:$0x18200] =	vst v63  }
0x37: {  	v3 =	vld [tilespmem:$0x10];
	_ =	sdelay $0x4  }
0x38: {  	v33 =	vshll.u32 v3, $0x3  }
0x39: {  	v3 =	vand.u32 $0x7, v3;
	v4 =	vand.u32 $0xFFFFFFC0, v33  }
0x3a: {  	v3 =	vor.u32 v3, v4  }
0x3b: {  	v4 =	vperm.xlane v3, v0;
	_ =	sdelay $0x1  }
0x3c: {  	v4 =	vadd.s32 v1, v4;
	_ =	sdelay $0x3  }
0x3d: {  	s31 =	simm.s32 $0x4200  }
0x3e: {  	[tilespmem:s31], [sflag:$0x1] =	stream.indirect_vreg.gather [hbm4b:s1+s3], $0x80, v4, vm0, $0xb8;
	[tilespmem:$0x18200] =	vst v63  }
0x3f: {  	s15 =	simm.s32 $0x4A00;
	v3 =	vperm.xlane v3, v2  }
0x40: {  	[tilespmem:s15], [sflag:$0x1] =	stream.indirect_vreg.gather [hbm4b:s5+s3], $0x80, v4, vm0, $0xb8;
	[tilespmem:$0x18200] =	vst v63  }
0x41: {  	s16 =	simm.s32 $0x5200;
	v3 =	vadd.s32 v1, v3  }
0x42: {  	[tilespmem:s16], [sflag:$0x1] =	stream.indirect_vreg.gather [hbm4b:s6+s3], $0x80, v4, vm0, $0xb8;
	[tilespmem:$0x18200] =	vst v63  }
0x43: {  	s17 =	simm.s32 $0x5A00  }
0x44: {  	[tilespmem:s17], [sflag:$0x1] =	stream.indirect_vreg.gather [hbm4b:s7+s3], $0x80, v4, vm0, $0xb8;
	[tilespmem:$0x18200] =	vst v63  }
0x45: {  	s18 =	simm.s32 $0x6200  }
0x46: {  	[tilespmem:s18], [sflag:$0x1] =	stream.indirect_vreg.gather [hbm4b:s1+s3], $0x80, v3, vm0, $0xb8;
	[tilespmem:$0x18200] =	vst v63  }
0x47: {  	s19 =	simm.s32 $0x6A00  }
0x48: {  	[tilespmem:s19], [sflag:$0x1] =	stream.indirect_vreg.gather [hbm4b:s5+s3], $0x80, v3, vm0, $0xb8;
	[tilespmem:$0x18200] =	vst v63  }
0x49: {  	s23 =	simm.s32 $0x7200  }
0x4a: {  	[tilespmem:s23], [sflag:$0x1] =	stream.indirect_vreg.gather [hbm4b:s6+s3], $0x80, v3, vm0, $0xb8;
	[tilespmem:$0x18200] =	vst v63  }
0x4b: {  	s25 =	simm.s32 $0x7A00  }
0x4c: {  	[tilespmem:s25], [sflag:$0x1] =	stream.indirect_vreg.gather [hbm4b:s7+s3], $0x80, v3, vm0, $0xb8;
	[tilespmem:$0x18200] =	vst v63  }
0x4d: {  	v3 =	vld [tilespmem:$0x20];
	_ =	sdelay $0x4  }
0x4e: {  	v34 =	vshll.u32 v3, $0x3  }
0x4f: {  	v3 =	vand.u32 $0x7, v3;
	v4 =	vand.u32 $0xFFFFFFC0, v34  }
0x50: {  	v3 =	vor.u32 v3, v4  }
0x51: {  	v4 =	vperm.xlane v3, v0;
	_ =	sdelay $0x1  }
0x52: {  	v4 =	vadd.s32 v1, v4;
	_ =	sdelay $0x4  }
0x53: {  	[tilespmem:s28], [sflag:$0x1] =	stream.indirect_vreg.gather [hbm4b:s1+s3], $0x80, v4, vm0, $0xb8;
	[tilespmem:$0x18200] =	vst v63  }
0x54: {  	s29 =	simm.s32 $0x8A00;
	v3 =	vperm.xlane v3, v2  }
0x55: {  	[tilespmem:s29], [sflag:$0x1] =	stream.indirect_vreg.gather [hbm4b:s5+s3], $0x80, v4, vm0, $0xb8;
	[tilespmem:$0x18200] =	vst v63  }
0x56: {  	s30 =	simm.s32 $0x9200;
	v3 =	vadd.s32 v1, v3  }
0x57: {  	[tilespmem:s30], [sflag:$0x1] =	stream.indirect_vreg.gather [hbm4b:s6+s3], $0x80, v4, vm0, $0xb8;
	[tilespmem:$0x18200] =	vst v63  }
0x58: {  	s31 =	simm.s32 $0x9A00  }
0x59: {  	[tilespmem:s31], [sflag:$0x1] =	stream.indirect_vreg.gather [hbm4b:s7+s3], $0x80, v4, vm0, $0xb8;
	[tilespmem:$0x18200] =	vst v63  }
0x5a: {  	s29 =	simm.s32 $0xA200  }
0x5b: {  	[tilespmem:s29], [sflag:$0x1] =	stream.indirect_vreg.gather [hbm4b:s1+s3], $0x80, v3, vm0, $0xb8;
	[tilespmem:$0x18200] =	vst v63  }
0x5c: {  	s30 =	simm.s32 $0xAA00  }
0x5d: {  	[tilespmem:s30], [sflag:$0x1] =	stream.indirect_vreg.gather [hbm4b:s5+s3], $0x80, v3, vm0, $0xb8;
	[tilespmem:$0x18200] =	vst v63  }
0x5e: {  	s31 =	simm.s32 $0xB200  }
0x5f: {  	[tilespmem:s31], [sflag:$0x1] =	stream.indirect_vreg.gather [hbm4b:s6+s3], $0x80, v3, vm0, $0xb8;
	[tilespmem:$0x18200] =	vst v63  }
0x60: {  	s29 =	simm.s32 $0xBA00  }
0x61: {  	[tilespmem:s29], [sflag:$0x1] =	stream.indirect_vreg.gather [hbm4b:s7+s3], $0x80, v3, vm0, $0xb8;
	[tilespmem:$0x18200] =	vst v63  }
0x62: {  	v3 =	vld [tilespmem:$0x30];
	_ =	sdelay $0x4  }
0x63: {  	v35 =	vshll.u32 v3, $0x3  }
0x64: {  	v3 =	vand.u32 $0x7, v3;
	v4 =	vand.u32 $0xFFFFFFC0, v35  }
0x65: {  	v3 =	vor.u32 v3, v4  }
0x66: {  	v4 =	vperm.xlane v3, v0;
	_ =	sdelay $0x1  }
0x67: {  	v4 =	vadd.s32 v1, v4;
	_ =	sdelay $0x3  }
0x68: {  	s30 =	simm.s32 $0xC200  }
0x69: {  	[tilespmem:s30], [sflag:$0x1] =	stream.indirect_vreg.gather [hbm4b:s1+s3], $0x80, v4, vm0, $0xb8;
	[tilespmem:$0x18200] =	vst v63  }
0x6a: {  	s31 =	simm.s32 $0xCA00;
	v3 =	vperm.xlane v3, v2  }
0x6b: {  	[tilespmem:s31], [sflag:$0x1] =	stream.indirect_vreg.gather [hbm4b:s5+s3], $0x80, v4, vm0, $0xb8;
	[tilespmem:$0x18200] =	vst v63  }
0x6c: {  	s2 =	simm.s32 $0xD200;
	v3 =	vadd.s32 v1, v3  }
0x6d: {  	[tilespmem:s2], [sflag:$0x1] =	stream.indirect_vreg.gather [hbm4b:s6+s3], $0x80, v4, vm0, $0xb8;
	[tilespmem:$0x18200] =	vst v63  }
0x6e: {  	s2 =	simm.s32 $0xDA00  }
0x6f: {  	[tilespmem:s2], [sflag:$0x1] =	stream.indirect_vreg.gather [hbm4b:s7+s3], $0x80, v4, vm0, $0xb8;
	[tilespmem:$0x18200] =	vst v63  }
0x70: {  	s2 =	simm.s32 $0xE200  }
0x71: {  	[tilespmem:s2], [sflag:$0x1] =	stream.indirect_vreg.gather [hbm4b:s1+s3], $0x80, v3, vm0, $0xb8;
	[tilespmem:$0x18200] =	vst v63  }
0x72: {  	s2 =	simm.s32 $0xEA00  }
0x73: {  	[tilespmem:s2], [sflag:$0x1] =	stream.indirect_vreg.gather [hbm4b:s5+s3], $0x80, v3, vm0, $0xb8;
	[tilespmem:$0x18200] =	vst v63  }
0x74: {  	s2 =	simm.s32 $0xF200  }
0x75: {  	[tilespmem:s2], [sflag:$0x1] =	stream.indirect_vreg.gather [hbm4b:s6+s3], $0x80, v3, vm0, $0xb8;
	[tilespmem:$0x18200] =	vst v63  }
0x76: {  	s2 =	simm.s32 $0xFA00  }
0x77: {  	[tilespmem:s2], [sflag:$0x1] =	stream.indirect_vreg.gather [hbm4b:s7+s3], $0x80, v3, vm0, $0xb8;
	[tilespmem:$0x18200] =	vst v63  }
0x78: {  	_ =	swait.ge [sflag:s9], $0x8000  }
0x79: {  	[sflag:s9] =	ssyncset.done $0x0  }
0x7a: {  	s2 =	rddreg [dreg:$0x16];
	[sflag:s9] =	ssyncadd.s32 $0xFFFF8000  }
0x7b: {  	[hbm4b:s2+s3] =	stream.linear.scatter [tilespmem:s10], [sflag:$0x2], $0x8000, $0x38;
	[tilespmem:$0x18200] =	vst v63  }
0x7c: {  	s2 =	simm.s32 $0x3  }
0x7d: {  	_ =	swait.ge [sflag:s2], $0x1C0  }
0x7e: {  	[sflag:s2] =	ssyncset.done $0x0  }
0x7f: {  	[sflag:s2] =	ssyncadd.s32 $0xFFFFFE40  }
0x80: {  	v3 =	vld [tilespmem:$0x40];
	_ =	sdelay $0x4  }
0x81: {  	v36 =	vshll.u32 v3, $0x3  }
0x82: {  	v3 =	vand.u32 $0x7, v3;
	v4 =	vand.u32 $0xFFFFFFC0, v36  }
0x83: {  	v3 =	vor.u32 v3, v4  }
0x84: {  	v4 =	vperm.xlane v3, v0;
	_ =	sdelay $0x1  }
0x85: {  	v4 =	vadd.s32 v1, v4;
	_ =	sdelay $0x4  }
0x86: {  	[tilespmem:s24], [sflag:$0x1] =	stream.indirect_vreg.gather [hbm4b:s1+s3], $0x80, v4, vm0, $0xb8;
	[tilespmem:$0x18200] =	vst v63  }
0x87: {  	s2 =	simm.s32 $0x10A00;
	v3 =	vperm.xlane v3, v2  }
0x88: {  	[tilespmem:s2], [sflag:$0x1] =	stream.indirect_vreg.gather [hbm4b:s5+s3], $0x80, v4, vm0, $0xb8;
	[tilespmem:$0x18200] =	vst v63  }
0x89: {  	v3 =	vadd.s32 v1, v3;
	s2 =	simm.s32 $0x11200  }
0x8a: {  	[tilespmem:s2], [sflag:$0x1] =	stream.indirect_vreg.gather [hbm4b:s6+s3], $0x80, v4, vm0, $0xb8;
	[tilespmem:$0x18200] =	vst v63  }
0x8b: {  	s2 =	simm.s32 $0x11A00  }
0x8c: {  	[tilespmem:s2], [sflag:$0x1] =	stream.indirect_vreg.gather [hbm4b:s7+s3], $0x80, v4, vm0, $0xb8;
	[tilespmem:$0x18200] =	vst v63  }
0x8d: {  	s2 =	simm.s32 $0x12200  }
0x8e: {  	[tilespmem:s2], [sflag:$0x1] =	stream.indirect_vreg.gather [hbm4b:s1+s3], $0x80, v3, vm0, $0xb8;
	[tilespmem:$0x18200] =	vst v63  }
0x8f: {  	s2 =	simm.s32 $0x12A00  }
0x90: {  	[tilespmem:s2], [sflag:$0x1] =	stream.indirect_vreg.gather [hbm4b:s5+s3], $0x80, v3, vm0, $0xb8;
	[tilespmem:$0x18200] =	vst v63  }
0x91: {  	s2 =	simm.s32 $0x13200  }
0x92: {  	[tilespmem:s2], [sflag:$0x1] =	stream.indirect_vreg.gather [hbm4b:s6+s3], $0x80, v3, vm0, $0xb8;
	[tilespmem:$0x18200] =	vst v63  }
0x93: {  	s2 =	simm.s32 $0x13A00  }
0x94: {  	[tilespmem:s2], [sflag:$0x1] =	stream.indirect_vreg.gather [hbm4b:s7+s3], $0x80, v3, vm0, $0xb8;
	[tilespmem:$0x18200] =	vst v63  }
0x95: {  	v3 =	vld [tilespmem:$0x50];
	_ =	sdelay $0x4  }
0x96: {  	v37 =	vshll.u32 v3, $0x3  }
0x97: {  	v3 =	vand.u32 $0x7, v3;
	v4 =	vand.u32 $0xFFFFFFC0, v37  }
0x98: {  	v3 =	vor.u32 v3, v4  }
0x99: {  	v4 =	vperm.xlane v3, v0;
	_ =	sdelay $0x1  }
0x9a: {  	v4 =	vadd.s32 v1, v4;
	_ =	sdelay $0x3  }
0x9b: {  	s2 =	simm.s32 $0x14200  }
0x9c: {  	[tilespmem:s2], [sflag:$0x1] =	stream.indirect_vreg.gather [hbm4b:s1+s3], $0x80, v4, vm0, $0xb8;
	[tilespmem:$0x18200] =	vst v63  }
0x9d: {  	v3 =	vperm.xlane v3, v2;
	s2 =	simm.s32 $0x14A00  }
0x9e: {  	[tilespmem:s2], [sflag:$0x1] =	stream.indirect_vreg.gather [hbm4b:s5+s3], $0x80, v4, vm0, $0xb8;
	[tilespmem:$0x18200] =	vst v63  }
0x9f: {  	v3 =	vadd.s32 v1, v3;
	s2 =	simm.s32 $0x15200  }
0xa0: {  	[tilespmem:s2], [sflag:$0x1] =	stream.indirect_vreg.gather [hbm4b:s6+s3], $0x80, v4, vm0, $0xb8;
	[tilespmem:$0x18200] =	vst v63  }
0xa1: {  	s2 =	simm.s32 $0x15A00  }
0xa2: {  	[tilespmem:s2], [sflag:$0x1] =	stream.indirect_vreg.gather [hbm4b:s7+s3], $0x80, v4, vm0, $0xb8;
	[tilespmem:$0x18200] =	vst v63  }
0xa3: {  	s2 =	simm.s32 $0x16200  }
0xa4: {  	[tilespmem:s2], [sflag:$0x1] =	stream.indirect_vreg.gather [hbm4b:s1+s3], $0x80, v3, vm0, $0xb8;
	[tilespmem:$0x18200] =	vst v63  }
0xa5: {  	s2 =	simm.s32 $0x16A00  }
0xa6: {  	[tilespmem:s2], [sflag:$0x1] =	stream.indirect_vreg.gather [hbm4b:s5+s3], $0x80, v3, vm0, $0xb8;
	[tilespmem:$0x18200] =	vst v63  }
0xa7: {  	s2 =	simm.s32 $0x17200  }
0xa8: {  	[tilespmem:s2], [sflag:$0x1] =	stream.indirect_vreg.gather [hbm4b:s6+s3], $0x80, v3, vm0, $0xb8;
	[tilespmem:$0x18200] =	vst v63  }
0xa9: {  	s2 =	simm.s32 $0x17A00  }
0xaa: {  	[tilespmem:s2], [sflag:$0x1] =	stream.indirect_vreg.gather [hbm4b:s7+s3], $0x80, v3, vm0, $0xb8;
	[tilespmem:$0x18200] =	vst v63  }
0xab: {  	_ =	swait.ge [sflag:s9], $0x8000  }
0xac: {  	[sflag:s9] =	ssyncset.done $0x0  }
0xad: {  	s2 =	rddreg [dreg:$0x6];
	[sflag:s9] =	ssyncadd.s32 $0xFFFF8000  }
0xae: {  	[hbm4b:s2+s3] =	stream.linear.scatter [tilespmem:s28], [sflag:$0x2], $0x8000, $0x38;
	[tilespmem:$0x18200] =	vst v63  }
0xaf: {  	_ =	swait.ge [sflag:s0], $0x8000  }
0xb0: {  	[sflag:s0] =	ssyncset.done $0x0  }
0xb1: {  	[sflag:s0] =	ssyncadd.s32 $0xFFFF8000  }
0xb2: {  	v3 =	vld [tilespmem:$0x60];
	_ =	sdelay $0x4  }
0xb3: {  	v38 =	vshll.u32 v3, $0x3  }
0xb4: {  	v3 =	vand.u32 $0x7, v3;
	v4 =	vand.u32 $0xFFFFFFC0, v38  }
0xb5: {  	v3 =	vor.u32 v3, v4  }
0xb6: {  	v4 =	vperm.xlane v3, v0;
	_ =	sdelay $0x1  }
0xb7: {  	v4 =	vadd.s32 v1, v4;
	_ =	sdelay $0x4  }
0xb8: {  	[tilespmem:s10], [sflag:$0x1] =	stream.indirect_vreg.gather [hbm4b:s1+s3], $0x80, v4, vm0, $0xb8;
	[tilespmem:$0x18200] =	vst v63  }
0xb9: {  	s26 =	simm.s32 $0xA00;
	v3 =	vperm.xlane v3, v2  }
0xba: {  	[tilespmem:s26], [sflag:$0x1] =	stream.indirect_vreg.gather [hbm4b:s5+s3], $0x80, v4, vm0, $0xb8;
	[tilespmem:$0x18200] =	vst v63  }
0xbb: {  	s4 =	simm.s32 $0x1200;
	v3 =	vadd.s32 v1, v3  }
0xbc: {  	[tilespmem:s4], [sflag:$0x1] =	stream.indirect_vreg.gather [hbm4b:s6+s3], $0x80, v4, vm0, $0xb8;
	[tilespmem:$0x18200] =	vst v63  }
0xbd: {  	s11 =	simm.s32 $0x1A00  }
0xbe: {  	[tilespmem:s11], [sflag:$0x1] =	stream.indirect_vreg.gather [hbm4b:s7+s3], $0x80, v4, vm0, $0xb8;
	[tilespmem:$0x18200] =	vst v63  }
0xbf: {  	s12 =	simm.s32 $0x2200  }
0xc0: {  	[tilespmem:s12], [sflag:$0x1] =	stream.indirect_vreg.gather [hbm4b:s1+s3], $0x80, v3, vm0, $0xb8;
	[tilespmem:$0x18200] =	vst v63  }
0xc1: {  	s13 =	simm.s32 $0x2A00  }
0xc2: {  	[tilespmem:s13], [sflag:$0x1] =	stream.indirect_vreg.gather [hbm4b:s5+s3], $0x80, v3, vm0, $0xb8;
	[tilespmem:$0x18200] =	vst v63  }
0xc3: {  	s14 =	simm.s32 $0x3200  }
0xc4: {  	[tilespmem:s14], [sflag:$0x1] =	stream.indirect_vreg.gather [hbm4b:s6+s3], $0x80, v3, vm0, $0xb8;
	[tilespmem:$0x18200] =	vst v63  }
0xc5: {  	s20 =	simm.s32 $0x3A00  }
0xc6: {  	[tilespmem:s20], [sflag:$0x1] =	stream.indirect_vreg.gather [hbm4b:s7+s3], $0x80, v3, vm0, $0xb8;
	[tilespmem:$0x18200] =	vst v63  }
0xc7: {  	v3 =	vld [tilespmem:$0x70];
	_ =	sdelay $0x4  }
0xc8: {  	v39 =	vshll.u32 v3, $0x3  }
0xc9: {  	v3 =	vand.u32 $0x7, v3;
	v4 =	vand.u32 $0xFFFFFFC0, v39  }
0xca: {  	v3 =	vor.u32 v3, v4  }
0xcb: {  	v4 =	vperm.xlane v3, v0;
	_ =	sdelay $0x1  }
0xcc: {  	v4 =	vadd.s32 v1, v4;
	_ =	sdelay $0x3  }
0xcd: {  	s21 =	simm.s32 $0x4200  }
0xce: {  	[tilespmem:s21], [sflag:$0x1] =	stream.indirect_vreg.gather [hbm4b:s1+s3], $0x80, v4, vm0, $0xb8;
	[tilespmem:$0x18200] =	vst v63  }
0xcf: {  	s22 =	simm.s32 $0x4A00;
	v3 =	vperm.xlane v3, v2  }
0xd0: {  	[tilespmem:s22], [sflag:$0x1] =	stream.indirect_vreg.gather [hbm4b:s5+s3], $0x80, v4, vm0, $0xb8;
	[tilespmem:$0x18200] =	vst v63  }
0xd1: {  	s15 =	simm.s32 $0x5200;
	v3 =	vadd.s32 v1, v3  }
0xd2: {  	[tilespmem:s15], [sflag:$0x1] =	stream.indirect_vreg.gather [hbm4b:s6+s3], $0x80, v4, vm0, $0xb8;
	[tilespmem:$0x18200] =	vst v63  }
0xd3: {  	s16 =	simm.s32 $0x5A00  }
0xd4: {  	[tilespmem:s16], [sflag:$0x1] =	stream.indirect_vreg.gather [hbm4b:s7+s3], $0x80, v4, vm0, $0xb8;
	[tilespmem:$0x18200] =	vst v63  }
0xd5: {  	s17 =	simm.s32 $0x6200  }
0xd6: {  	[tilespmem:s17], [sflag:$0x1] =	stream.indirect_vreg.gather [hbm4b:s1+s3], $0x80, v3, vm0, $0xb8;
	[tilespmem:$0x18200] =	vst v63  }
0xd7: {  	s18 =	simm.s32 $0x6A00  }
0xd8: {  	[tilespmem:s18], [sflag:$0x1] =	stream.indirect_vreg.gather [hbm4b:s5+s3], $0x80, v3, vm0, $0xb8;
	[tilespmem:$0x18200] =	vst v63  }
0xd9: {  	s19 =	simm.s32 $0x7200  }
0xda: {  	[tilespmem:s19], [sflag:$0x1] =	stream.indirect_vreg.gather [hbm4b:s6+s3], $0x80, v3, vm0, $0xb8;
	[tilespmem:$0x18200] =	vst v63  }
0xdb: {  	s23 =	simm.s32 $0x7A00  }
0xdc: {  	[tilespmem:s23], [sflag:$0x1] =	stream.indirect_vreg.gather [hbm4b:s7+s3], $0x80, v3, vm0, $0xb8;
	[tilespmem:$0x18200] =	vst v63  }
0xdd: {  	_ =	swait.ge [sflag:s9], $0x8000  }
0xde: {  	[sflag:s9] =	ssyncset.done $0x0  }
0xdf: {  	s2 =	rddreg [dreg:$0x7];
	[sflag:s9] =	ssyncadd.s32 $0xFFFF8000  }
0xe0: {  	[hbm4b:s2+s3] =	stream.linear.scatter [tilespmem:s24], [sflag:$0x2], $0x8000, $0x38;
	[tilespmem:$0x18200] =	vst v63  }
0xe1: {  	_ =	swait.ge [sflag:s0], $0x8000  }
0xe2: {  	[sflag:s0] =	ssyncset.done $0x0  }
0xe3: {  	[sflag:s0] =	ssyncadd.s32 $0xFFFF8000  }
0xe4: {  	v3 =	vld [tilespmem:$0x80];
	_ =	sdelay $0x4  }
0xe5: {  	v40 =	vshll.u32 v3, $0x3  }
0xe6: {  	v3 =	vand.u32 $0x7, v3;
	v4 =	vand.u32 $0xFFFFFFC0, v40  }
0xe7: {  	v3 =	vor.u32 v3, v4  }
0xe8: {  	v4 =	vperm.xlane v3, v0;
	_ =	sdelay $0x1  }
0xe9: {  	v4 =	vadd.s32 v1, v4;
	_ =	sdelay $0x4  }
0xea: {  	[tilespmem:s28], [sflag:$0x1] =	stream.indirect_vreg.gather [hbm4b:s1+s3], $0x80, v4, vm0, $0xb8;
	[tilespmem:$0x18200] =	vst v63  }
0xeb: {  	s25 =	simm.s32 $0x8A00;
	v3 =	vperm.xlane v3, v2  }
0xec: {  	[tilespmem:s25], [sflag:$0x1] =	stream.indirect_vreg.gather [hbm4b:s5+s3], $0x80, v4, vm0, $0xb8;
	[tilespmem:$0x18200] =	vst v63  }
0xed: {  	v3 =	vadd.s32 v1, v3;
	s25 =	simm.s32 $0x9200  }
0xee: {  	[tilespmem:s25], [sflag:$0x1] =	stream.indirect_vreg.gather [hbm4b:s6+s3], $0x80, v4, vm0, $0xb8;
	[tilespmem:$0x18200] =	vst v63  }
0xef: {  	s25 =	simm.s32 $0x9A00  }
0xf0: {  	[tilespmem:s25], [sflag:$0x1] =	stream.indirect_vreg.gather [hbm4b:s7+s3], $0x80, v4, vm0, $0xb8;
	[tilespmem:$0x18200] =	vst v63  }
0xf1: {  	s25 =	simm.s32 $0xA200  }
0xf2: {  	[tilespmem:s25], [sflag:$0x1] =	stream.indirect_vreg.gather [hbm4b:s1+s3], $0x80, v3, vm0, $0xb8;
	[tilespmem:$0x18200] =	vst v63  }
0xf3: {  	s25 =	simm.s32 $0xAA00  }
0xf4: {  	[tilespmem:s25], [sflag:$0x1] =	stream.indirect_vreg.gather [hbm4b:s5+s3], $0x80, v3, vm0, $0xb8;
	[tilespmem:$0x18200] =	vst v63  }
0xf5: {  	s25 =	simm.s32 $0xB200  }
0xf6: {  	[tilespmem:s25], [sflag:$0x1] =	stream.indirect_vreg.gather [hbm4b:s6+s3], $0x80, v3, vm0, $0xb8;
	[tilespmem:$0x18200] =	vst v63  }
0xf7: {  	s29 =	simm.s32 $0xBA00  }
0xf8: {  	[tilespmem:s29], [sflag:$0x1] =	stream.indirect_vreg.gather [hbm4b:s7+s3], $0x80, v3, vm0, $0xb8;
	[tilespmem:$0x18200] =	vst v63  }
0xf9: {  	v3 =	vld [tilespmem:$0x90];
	_ =	sdelay $0x4  }
0xfa: {  	v41 =	vshll.u32 v3, $0x3  }
0xfb: {  	v3 =	vand.u32 $0x7, v3;
	v4 =	vand.u32 $0xFFFFFFC0, v41  }
0xfc: {  	v3 =	vor.u32 v3, v4  }
0xfd: {  	v4 =	vperm.xlane v3, v0;
	_ =	sdelay $0x1  }
0xfe: {  	v4 =	vadd.s32 v1, v4;
	_ =	sdelay $0x3  }
0xff: {  	s30 =	simm.s32 $0xC200  }
0x100: {  	[tilespmem:s30], [sflag:$0x1] =	stream.indirect_vreg.gather [hbm4b:s1+s3], $0x80, v4, vm0, $0xb8;
	[tilespmem:$0x18200] =	vst v63  }
0x101: {  	s31 =	simm.s32 $0xCA00;
	v3 =	vperm.xlane v3, v2  }
0x102: {  	[tilespmem:s31], [sflag:$0x1] =	stream.indirect_vreg.gather [hbm4b:s5+s3], $0x80, v4, vm0, $0xb8;
	[tilespmem:$0x18200] =	vst v63  }
0x103: {  	s25 =	simm.s32 $0xD200;
	v3 =	vadd.s32 v1, v3  }
0x104: {  	[tilespmem:s25], [sflag:$0x1] =	stream.indirect_vreg.gather [hbm4b:s6+s3], $0x80, v4, vm0, $0xb8;
	[tilespmem:$0x18200] =	vst v63  }
0x105: {  	s29 =	simm.s32 $0xDA00  }
0x106: {  	[tilespmem:s29], [sflag:$0x1] =	stream.indirect_vreg.gather [hbm4b:s7+s3], $0x80, v4, vm0, $0xb8;
	[tilespmem:$0x18200] =	vst v63  }
0x107: {  	s30 =	simm.s32 $0xE200  }
0x108: {  	[tilespmem:s30], [sflag:$0x1] =	stream.indirect_vreg.gather [hbm4b:s1+s3], $0x80, v3, vm0, $0xb8;
	[tilespmem:$0x18200] =	vst v63  }
0x109: {  	s31 =	simm.s32 $0xEA00  }
0x10a: {  	[tilespmem:s31], [sflag:$0x1] =	stream.indirect_vreg.gather [hbm4b:s5+s3], $0x80, v3, vm0, $0xb8;
	[tilespmem:$0x18200] =	vst v63  }
0x10b: {  	s25 =	simm.s32 $0xF200  }
0x10c: {  	[tilespmem:s25], [sflag:$0x1] =	stream.indirect_vreg.gather [hbm4b:s6+s3], $0x80, v3, vm0, $0xb8;
	[tilespmem:$0x18200] =	vst v63  }
0x10d: {  	s29 =	simm.s32 $0xFA00  }
0x10e: {  	[tilespmem:s29], [sflag:$0x1] =	stream.indirect_vreg.gather [hbm4b:s7+s3], $0x80, v3, vm0, $0xb8;
	[tilespmem:$0x18200] =	vst v63  }
0x10f: {  	_ =	swait.ge [sflag:s9], $0x8000  }
0x110: {  	[sflag:s9] =	ssyncset.done $0x0  }
0x111: {  	s30 =	rddreg [dreg:$0x8];
	[sflag:s9] =	ssyncadd.s32 $0xFFFF8000  }
0x112: {  	[hbm4b:s30+s3] =	stream.linear.scatter [tilespmem:s10], [sflag:$0x2], $0x8000, $0x38;
	[tilespmem:$0x18200] =	vst v63  }
0x113: {  	_ =	swait.ge [sflag:s0], $0x8000  }
0x114: {  	[sflag:s0] =	ssyncset.done $0x0  }
0x115: {  	[sflag:s0] =	ssyncadd.s32 $0xFFFF8000  }
0x116: {  	v3 =	vld [tilespmem:$0xA0];
	_ =	sdelay $0x4  }
0x117: {  	v42 =	vshll.u32 v3, $0x3  }
0x118: {  	v3 =	vand.u32 $0x7, v3;
	v4 =	vand.u32 $0xFFFFFFC0, v42  }
0x119: {  	v3 =	vor.u32 v3, v4  }
0x11a: {  	v4 =	vperm.xlane v3, v0;
	_ =	sdelay $0x1  }
0x11b: {  	v4 =	vadd.s32 v1, v4;
	_ =	sdelay $0x4  }
0x11c: {  	[tilespmem:s24], [sflag:$0x1] =	stream.indirect_vreg.gather [hbm4b:s1+s3], $0x80, v4, vm0, $0xb8;
	[tilespmem:$0x18200] =	vst v63  }
0x11d: {  	s31 =	simm.s32 $0x10A00;
	v3 =	vperm.xlane v3, v2  }
0x11e: {  	[tilespmem:s31], [sflag:$0x1] =	stream.indirect_vreg.gather [hbm4b:s5+s3], $0x80, v4, vm0, $0xb8;
	[tilespmem:$0x18200] =	vst v63  }
0x11f: {  	s25 =	simm.s32 $0x11200;
	v3 =	vadd.s32 v1, v3  }
0x120: {  	[tilespmem:s25], [sflag:$0x1] =	stream.indirect_vreg.gather [hbm4b:s6+s3], $0x80, v4, vm0, $0xb8;
	[tilespmem:$0x18200] =	vst v63  }
0x121: {  	s29 =	simm.s32 $0x11A00  }
0x122: {  	[tilespmem:s29], [sflag:$0x1] =	stream.indirect_vreg.gather [hbm4b:s7+s3], $0x80, v4, vm0, $0xb8;
	[tilespmem:$0x18200] =	vst v63  }
0x123: {  	s30 =	simm.s32 $0x12200  }
0x124: {  	[tilespmem:s30], [sflag:$0x1] =	stream.indirect_vreg.gather [hbm4b:s1+s3], $0x80, v3, vm0, $0xb8;
	[tilespmem:$0x18200] =	vst v63  }
0x125: {  	s31 =	simm.s32 $0x12A00  }
0x126: {  	[tilespmem:s31], [sflag:$0x1] =	stream.indirect_vreg.gather [hbm4b:s5+s3], $0x80, v3, vm0, $0xb8;
	[tilespmem:$0x18200] =	vst v63  }
0x127: {  	s2 =	simm.s32 $0x13200  }
0x128: {  	[tilespmem:s2], [sflag:$0x1] =	stream.indirect_vreg.gather [hbm4b:s6+s3], $0x80, v3, vm0, $0xb8;
	[tilespmem:$0x18200] =	vst v63  }
0x129: {  	s2 =	simm.s32 $0x13A00  }
0x12a: {  	[tilespmem:s2], [sflag:$0x1] =	stream.indirect_vreg.gather [hbm4b:s7+s3], $0x80, v3, vm0, $0xb8;
	[tilespmem:$0x18200] =	vst v63  }
0x12b: {  	v3 =	vld [tilespmem:$0xB0];
	_ =	sdelay $0x4  }
0x12c: {  	v43 =	vshll.u32 v3, $0x3  }
0x12d: {  	v3 =	vand.u32 $0x7, v3;
	v4 =	vand.u32 $0xFFFFFFC0, v43  }
0x12e: {  	v3 =	vor.u32 v3, v4  }
0x12f: {  	v4 =	vperm.xlane v3, v0;
	_ =	sdelay $0x1  }
0x130: {  	v4 =	vadd.s32 v1, v4;
	_ =	sdelay $0x3  }
0x131: {  	s2 =	simm.s32 $0x14200  }
0x132: {  	[tilespmem:s2], [sflag:$0x1] =	stream.indirect_vreg.gather [hbm4b:s1+s3], $0x80, v4, vm0, $0xb8;
	[tilespmem:$0x18200] =	vst v63  }
0x133: {  	v3 =	vperm.xlane v3, v2;
	s2 =	simm.s32 $0x14A00  }
0x134: {  	[tilespmem:s2], [sflag:$0x1] =	stream.indirect_vreg.gather [hbm4b:s5+s3], $0x80, v4, vm0, $0xb8;
	[tilespmem:$0x18200] =	vst v63  }
0x135: {  	v3 =	vadd.s32 v1, v3;
	s2 =	simm.s32 $0x15200  }
0x136: {  	[tilespmem:s2], [sflag:$0x1] =	stream.indirect_vreg.gather [hbm4b:s6+s3], $0x80, v4, vm0, $0xb8;
	[tilespmem:$0x18200] =	vst v63  }
0x137: {  	s2 =	simm.s32 $0x15A00  }
0x138: {  	[tilespmem:s2], [sflag:$0x1] =	stream.indirect_vreg.gather [hbm4b:s7+s3], $0x80, v4, vm0, $0xb8;
	[tilespmem:$0x18200] =	vst v63  }
0x139: {  	s2 =	simm.s32 $0x16200  }
0x13a: {  	[tilespmem:s2], [sflag:$0x1] =	stream.indirect_vreg.gather [hbm4b:s1+s3], $0x80, v3, vm0, $0xb8;
	[tilespmem:$0x18200] =	vst v63  }
0x13b: {  	s2 =	simm.s32 $0x16A00  }
0x13c: {  	[tilespmem:s2], [sflag:$0x1] =	stream.indirect_vreg.gather [hbm4b:s5+s3], $0x80, v3, vm0, $0xb8;
	[tilespmem:$0x18200] =	vst v63  }
0x13d: {  	s2 =	simm.s32 $0x17200  }
0x13e: {  	[tilespmem:s2], [sflag:$0x1] =	stream.indirect_vreg.gather [hbm4b:s6+s3], $0x80, v3, vm0, $0xb8;
	[tilespmem:$0x18200] =	vst v63  }
0x13f: {  	s2 =	simm.s32 $0x17A00  }
0x140: {  	[tilespmem:s2], [sflag:$0x1] =	stream.indirect_vreg.gather [hbm4b:s7+s3], $0x80, v3, vm0, $0xb8;
	[tilespmem:$0x18200] =	vst v63  }
0x141: {  	_ =	swait.ge [sflag:s9], $0x8000  }
0x142: {  	[sflag:s9] =	ssyncset.done $0x0  }
0x143: {  	s2 =	rddreg [dreg:$0x9];
	[sflag:s9] =	ssyncadd.s32 $0xFFFF8000  }
0x144: {  	[hbm4b:s2+s3] =	stream.linear.scatter [tilespmem:s28], [sflag:$0x2], $0x8000, $0x38;
	[tilespmem:$0x18200] =	vst v63  }
0x145: {  	_ =	swait.ge [sflag:s0], $0x8000  }
0x146: {  	[sflag:s0] =	ssyncset.done $0x0  }
0x147: {  	[sflag:s0] =	ssyncadd.s32 $0xFFFF8000  }
0x148: {  	v3 =	vld [tilespmem:$0xC0];
	_ =	sdelay $0x4  }
0x149: {  	v44 =	vshll.u32 v3, $0x3  }
0x14a: {  	v3 =	vand.u32 $0x7, v3;
	v4 =	vand.u32 $0xFFFFFFC0, v44  }
0x14b: {  	v3 =	vor.u32 v3, v4  }
0x14c: {  	v4 =	vperm.xlane v3, v0;
	_ =	sdelay $0x1  }
0x14d: {  	v4 =	vadd.s32 v1, v4;
	_ =	sdelay $0x4  }
0x14e: {  	[tilespmem:s10], [sflag:$0x1] =	stream.indirect_vreg.gather [hbm4b:s1+s3], $0x80, v4, vm0, $0xb8;
	[tilespmem:$0x18200] =	vst v63  }
0x14f: {  	s26 =	simm.s32 $0xA00;
	v3 =	vperm.xlane v3, v2  }
0x150: {  	[tilespmem:s26], [sflag:$0x1] =	stream.indirect_vreg.gather [hbm4b:s5+s3], $0x80, v4, vm0, $0xb8;
	[tilespmem:$0x18200] =	vst v63  }
0x151: {  	s4 =	simm.s32 $0x1200;
	v3 =	vadd.s32 v1, v3  }
0x152: {  	[tilespmem:s4], [sflag:$0x1] =	stream.indirect_vreg.gather [hbm4b:s6+s3], $0x80, v4, vm0, $0xb8;
	[tilespmem:$0x18200] =	vst v63  }
0x153: {  	s11 =	simm.s32 $0x1A00  }
0x154: {  	[tilespmem:s11], [sflag:$0x1] =	stream.indirect_vreg.gather [hbm4b:s7+s3], $0x80, v4, vm0, $0xb8;
	[tilespmem:$0x18200] =	vst v63  }
0x155: {  	s12 =	simm.s32 $0x2200  }
0x156: {  	[tilespmem:s12], [sflag:$0x1] =	stream.indirect_vreg.gather [hbm4b:s1+s3], $0x80, v3, vm0, $0xb8;
	[tilespmem:$0x18200] =	vst v63  }
0x157: {  	s13 =	simm.s32 $0x2A00  }
0x158: {  	[tilespmem:s13], [sflag:$0x1] =	stream.indirect_vreg.gather [hbm4b:s5+s3], $0x80, v3, vm0, $0xb8;
	[tilespmem:$0x18200] =	vst v63  }
0x159: {  	s14 =	simm.s32 $0x3200  }
0x15a: {  	[tilespmem:s14], [sflag:$0x1] =	stream.indirect_vreg.gather [hbm4b:s6+s3], $0x80, v3, vm0, $0xb8;
	[tilespmem:$0x18200] =	vst v63  }
0x15b: {  	s20 =	simm.s32 $0x3A00  }
0x15c: {  	[tilespmem:s20], [sflag:$0x1] =	stream.indirect_vreg.gather [hbm4b:s7+s3], $0x80, v3, vm0, $0xb8;
	[tilespmem:$0x18200] =	vst v63  }
0x15d: {  	v3 =	vld [tilespmem:$0xD0];
	_ =	sdelay $0x4  }
0x15e: {  	v45 =	vshll.u32 v3, $0x3  }
0x15f: {  	v3 =	vand.u32 $0x7, v3;
	v4 =	vand.u32 $0xFFFFFFC0, v45  }
0x160: {  	v3 =	vor.u32 v3, v4  }
0x161: {  	v4 =	vperm.xlane v3, v0;
	_ =	sdelay $0x1  }
0x162: {  	v4 =	vadd.s32 v1, v4;
	_ =	sdelay $0x3  }
0x163: {  	s21 =	simm.s32 $0x4200  }
0x164: {  	[tilespmem:s21], [sflag:$0x1] =	stream.indirect_vreg.gather [hbm4b:s1+s3], $0x80, v4, vm0, $0xb8;
	[tilespmem:$0x18200] =	vst v63  }
0x165: {  	s22 =	simm.s32 $0x4A00;
	v3 =	vperm.xlane v3, v2  }
0x166: {  	[tilespmem:s22], [sflag:$0x1] =	stream.indirect_vreg.gather [hbm4b:s5+s3], $0x80, v4, vm0, $0xb8;
	[tilespmem:$0x18200] =	vst v63  }
0x167: {  	s15 =	simm.s32 $0x5200;
	v3 =	vadd.s32 v1, v3  }
0x168: {  	[tilespmem:s15], [sflag:$0x1] =	stream.indirect_vreg.gather [hbm4b:s6+s3], $0x80, v4, vm0, $0xb8;
	[tilespmem:$0x18200] =	vst v63  }
0x169: {  	s16 =	simm.s32 $0x5A00  }
0x16a: {  	[tilespmem:s16], [sflag:$0x1] =	stream.indirect_vreg.gather [hbm4b:s7+s3], $0x80, v4, vm0, $0xb8;
	[tilespmem:$0x18200] =	vst v63  }
0x16b: {  	s17 =	simm.s32 $0x6200  }
0x16c: {  	[tilespmem:s17], [sflag:$0x1] =	stream.indirect_vreg.gather [hbm4b:s1+s3], $0x80, v3, vm0, $0xb8;
	[tilespmem:$0x18200] =	vst v63  }
0x16d: {  	s18 =	simm.s32 $0x6A00  }
0x16e: {  	[tilespmem:s18], [sflag:$0x1] =	stream.indirect_vreg.gather [hbm4b:s5+s3], $0x80, v3, vm0, $0xb8;
	[tilespmem:$0x18200] =	vst v63  }
0x16f: {  	s19 =	simm.s32 $0x7200  }
0x170: {  	[tilespmem:s19], [sflag:$0x1] =	stream.indirect_vreg.gather [hbm4b:s6+s3], $0x80, v3, vm0, $0xb8;
	[tilespmem:$0x18200] =	vst v63  }
0x171: {  	s23 =	simm.s32 $0x7A00  }
0x172: {  	[tilespmem:s23], [sflag:$0x1] =	stream.indirect_vreg.gather [hbm4b:s7+s3], $0x80, v3, vm0, $0xb8;
	[tilespmem:$0x18200] =	vst v63  }
0x173: {  	_ =	swait.ge [sflag:s9], $0x8000  }
0x174: {  	[sflag:s9] =	ssyncset.done $0x0  }
0x175: {  	s2 =	rddreg [dreg:$0xa];
	[sflag:s9] =	ssyncadd.s32 $0xFFFF8000  }
0x176: {  	[hbm4b:s2+s3] =	stream.linear.scatter [tilespmem:s24], [sflag:$0x2], $0x8000, $0x38;
	[tilespmem:$0x18200] =	vst v63  }
0x177: {  	_ =	swait.ge [sflag:s0], $0x8000  }
0x178: {  	[sflag:s0] =	ssyncset.done $0x0  }
0x179: {  	[sflag:s0] =	ssyncadd.s32 $0xFFFF8000  }
0x17a: {  	v3 =	vld [tilespmem:$0xE0];
	_ =	sdelay $0x4  }
0x17b: {  	v46 =	vshll.u32 v3, $0x3  }
0x17c: {  	v3 =	vand.u32 $0x7, v3;
	v4 =	vand.u32 $0xFFFFFFC0, v46  }
0x17d: {  	v3 =	vor.u32 v3, v4  }
0x17e: {  	v4 =	vperm.xlane v3, v0;
	_ =	sdelay $0x1  }
0x17f: {  	v4 =	vadd.s32 v1, v4;
	_ =	sdelay $0x4  }
0x180: {  	[tilespmem:s28], [sflag:$0x1] =	stream.indirect_vreg.gather [hbm4b:s1+s3], $0x80, v4, vm0, $0xb8;
	[tilespmem:$0x18200] =	vst v63  }
0x181: {  	s2 =	simm.s32 $0x8A00;
	v3 =	vperm.xlane v3, v2  }
0x182: {  	[tilespmem:s2], [sflag:$0x1] =	stream.indirect_vreg.gather [hbm4b:s5+s3], $0x80, v4, vm0, $0xb8;
	[tilespmem:$0x18200] =	vst v63  }
0x183: {  	v3 =	vadd.s32 v1, v3;
	s2 =	simm.s32 $0x9200  }
0x184: {  	[tilespmem:s2], [sflag:$0x1] =	stream.indirect_vreg.gather [hbm4b:s6+s3], $0x80, v4, vm0, $0xb8;
	[tilespmem:$0x18200] =	vst v63  }
0x185: {  	s2 =	simm.s32 $0x9A00  }
0x186: {  	[tilespmem:s2], [sflag:$0x1] =	stream.indirect_vreg.gather [hbm4b:s7+s3], $0x80, v4, vm0, $0xb8;
	[tilespmem:$0x18200] =	vst v63  }
0x187: {  	s2 =	simm.s32 $0xA200  }
0x188: {  	[tilespmem:s2], [sflag:$0x1] =	stream.indirect_vreg.gather [hbm4b:s1+s3], $0x80, v3, vm0, $0xb8;
	[tilespmem:$0x18200] =	vst v63  }
0x189: {  	s2 =	simm.s32 $0xAA00  }
0x18a: {  	[tilespmem:s2], [sflag:$0x1] =	stream.indirect_vreg.gather [hbm4b:s5+s3], $0x80, v3, vm0, $0xb8;
	[tilespmem:$0x18200] =	vst v63  }
0x18b: {  	s2 =	simm.s32 $0xB200  }
0x18c: {  	[tilespmem:s2], [sflag:$0x1] =	stream.indirect_vreg.gather [hbm4b:s6+s3], $0x80, v3, vm0, $0xb8;
	[tilespmem:$0x18200] =	vst v63  }
0x18d: {  	s2 =	simm.s32 $0xBA00  }
0x18e: {  	[tilespmem:s2], [sflag:$0x1] =	stream.indirect_vreg.gather [hbm4b:s7+s3], $0x80, v3, vm0, $0xb8;
	[tilespmem:$0x18200] =	vst v63  }
0x18f: {  	v3 =	vld [tilespmem:$0xF0];
	_ =	sdelay $0x4  }
0x190: {  	v47 =	vshll.u32 v3, $0x3  }
0x191: {  	v3 =	vand.u32 $0x7, v3;
	v4 =	vand.u32 $0xFFFFFFC0, v47  }
0x192: {  	v3 =	vor.u32 v3, v4  }
0x193: {  	v4 =	vperm.xlane v3, v0;
	_ =	sdelay $0x1  }
0x194: {  	v4 =	vadd.s32 v1, v4;
	_ =	sdelay $0x3  }
0x195: {  	s2 =	simm.s32 $0xC200  }
0x196: {  	[tilespmem:s2], [sflag:$0x1] =	stream.indirect_vreg.gather [hbm4b:s1+s3], $0x80, v4, vm0, $0xb8;
	[tilespmem:$0x18200] =	vst v63  }
0x197: {  	v3 =	vperm.xlane v3, v2;
	s2 =	simm.s32 $0xCA00  }
0x198: {  	[tilespmem:s2], [sflag:$0x1] =	stream.indirect_vreg.gather [hbm4b:s5+s3], $0x80, v4, vm0, $0xb8;
	[tilespmem:$0x18200] =	vst v63  }
0x199: {  	v3 =	vadd.s32 v1, v3;
	s2 =	simm.s32 $0xD200  }
0x19a: {  	[tilespmem:s2], [sflag:$0x1] =	stream.indirect_vreg.gather [hbm4b:s6+s3], $0x80, v4, vm0, $0xb8;
	[tilespmem:$0x18200] =	vst v63  }
0x19b: {  	s2 =	simm.s32 $0xDA00  }
0x19c: {  	[tilespmem:s2], [sflag:$0x1] =	stream.indirect_vreg.gather [hbm4b:s7+s3], $0x80, v4, vm0, $0xb8;
	[tilespmem:$0x18200] =	vst v63  }
0x19d: {  	s2 =	simm.s32 $0xE200  }
0x19e: {  	[tilespmem:s2], [sflag:$0x1] =	stream.indirect_vreg.gather [hbm4b:s1+s3], $0x80, v3, vm0, $0xb8;
	[tilespmem:$0x18200] =	vst v63  }
0x19f: {  	s2 =	simm.s32 $0xEA00  }
0x1a0: {  	[tilespmem:s2], [sflag:$0x1] =	stream.indirect_vreg.gather [hbm4b:s5+s3], $0x80, v3, vm0, $0xb8;
	[tilespmem:$0x18200] =	vst v63  }
0x1a1: {  	s2 =	simm.s32 $0xF200  }
0x1a2: {  	[tilespmem:s2], [sflag:$0x1] =	stream.indirect_vreg.gather [hbm4b:s6+s3], $0x80, v3, vm0, $0xb8;
	[tilespmem:$0x18200] =	vst v63  }
0x1a3: {  	s2 =	simm.s32 $0xFA00  }
0x1a4: {  	[tilespmem:s2], [sflag:$0x1] =	stream.indirect_vreg.gather [hbm4b:s7+s3], $0x80, v3, vm0, $0xb8;
	[tilespmem:$0x18200] =	vst v63  }
0x1a5: {  	_ =	swait.ge [sflag:s9], $0x8000  }
0x1a6: {  	[sflag:s9] =	ssyncset.done $0x0  }
0x1a7: {  	s2 =	rddreg [dreg:$0xb];
	[sflag:s9] =	ssyncadd.s32 $0xFFFF8000  }
0x1a8: {  	[hbm4b:s2+s3] =	stream.linear.scatter [tilespmem:s10], [sflag:$0x2], $0x8000, $0x38;
	[tilespmem:$0x18200] =	vst v63  }
0x1a9: {  	_ =	swait.ge [sflag:s0], $0x8000  }
0x1aa: {  	[sflag:s0] =	ssyncset.done $0x0  }
0x1ab: {  	[sflag:s0] =	ssyncadd.s32 $0xFFFF8000  }
0x1ac: {  	v3 =	vld [tilespmem:$0x100];
	_ =	sdelay $0x4  }
0x1ad: {  	v48 =	vshll.u32 v3, $0x3  }
0x1ae: {  	v3 =	vand.u32 $0x7, v3;
	v4 =	vand.u32 $0xFFFFFFC0, v48  }
0x1af: {  	v3 =	vor.u32 v3, v4  }
0x1b0: {  	v4 =	vperm.xlane v3, v0;
	_ =	sdelay $0x1  }
0x1b1: {  	v4 =	vadd.s32 v1, v4;
	_ =	sdelay $0x4  }
0x1b2: {  	[tilespmem:s24], [sflag:$0x1] =	stream.indirect_vreg.gather [hbm4b:s1+s3], $0x80, v4, vm0, $0xb8;
	[tilespmem:$0x18200] =	vst v63  }
0x1b3: {  	s2 =	simm.s32 $0x10A00;
	v3 =	vperm.xlane v3, v2  }
0x1b4: {  	[tilespmem:s2], [sflag:$0x1] =	stream.indirect_vreg.gather [hbm4b:s5+s3], $0x80, v4, vm0, $0xb8;
	[tilespmem:$0x18200] =	vst v63  }
0x1b5: {  	s25 =	simm.s32 $0x11200;
	v3 =	vadd.s32 v1, v3  }
0x1b6: {  	[tilespmem:s25], [sflag:$0x1] =	stream.indirect_vreg.gather [hbm4b:s6+s3], $0x80, v4, vm0, $0xb8;
	[tilespmem:$0x18200] =	vst v63  }
0x1b7: {  	s29 =	simm.s32 $0x11A00  }
0x1b8: {  	[tilespmem:s29], [sflag:$0x1] =	stream.indirect_vreg.gather [hbm4b:s7+s3], $0x80, v4, vm0, $0xb8;
	[tilespmem:$0x18200] =	vst v63  }
0x1b9: {  	s30 =	simm.s32 $0x12200  }
0x1ba: {  	[tilespmem:s30], [sflag:$0x1] =	stream.indirect_vreg.gather [hbm4b:s1+s3], $0x80, v3, vm0, $0xb8;
	[tilespmem:$0x18200] =	vst v63  }
0x1bb: {  	s31 =	simm.s32 $0x12A00  }
0x1bc: {  	[tilespmem:s31], [sflag:$0x1] =	stream.indirect_vreg.gather [hbm4b:s5+s3], $0x80, v3, vm0, $0xb8;
	[tilespmem:$0x18200] =	vst v63  }
0x1bd: {  	s2 =	simm.s32 $0x13200  }
0x1be: {  	[tilespmem:s2], [sflag:$0x1] =	stream.indirect_vreg.gather [hbm4b:s6+s3], $0x80, v3, vm0, $0xb8;
	[tilespmem:$0x18200] =	vst v63  }
0x1bf: {  	s2 =	simm.s32 $0x13A00  }
0x1c0: {  	[tilespmem:s2], [sflag:$0x1] =	stream.indirect_vreg.gather [hbm4b:s7+s3], $0x80, v3, vm0, $0xb8;
	[tilespmem:$0x18200] =	vst v63  }
0x1c1: {  	v3 =	vld [tilespmem:$0x110];
	_ =	sdelay $0x4  }
0x1c2: {  	v49 =	vshll.u32 v3, $0x3  }
0x1c3: {  	v3 =	vand.u32 $0x7, v3;
	v4 =	vand.u32 $0xFFFFFFC0, v49  }
0x1c4: {  	v3 =	vor.u32 v3, v4  }
0x1c5: {  	v4 =	vperm.xlane v3, v0;
	_ =	sdelay $0x1  }
0x1c6: {  	v4 =	vadd.s32 v1, v4;
	_ =	sdelay $0x3  }
0x1c7: {  	s2 =	simm.s32 $0x14200  }
0x1c8: {  	[tilespmem:s2], [sflag:$0x1] =	stream.indirect_vreg.gather [hbm4b:s1+s3], $0x80, v4, vm0, $0xb8;
	[tilespmem:$0x18200] =	vst v63  }
0x1c9: {  	v3 =	vperm.xlane v3, v2;
	s2 =	simm.s32 $0x14A00  }
0x1ca: {  	[tilespmem:s2], [sflag:$0x1] =	stream.indirect_vreg.gather [hbm4b:s5+s3], $0x80, v4, vm0, $0xb8;
	[tilespmem:$0x18200] =	vst v63  }
0x1cb: {  	v3 =	vadd.s32 v1, v3;
	s2 =	simm.s32 $0x15200  }
0x1cc: {  	[tilespmem:s2], [sflag:$0x1] =	stream.indirect_vreg.gather [hbm4b:s6+s3], $0x80, v4, vm0, $0xb8;
	[tilespmem:$0x18200] =	vst v63  }
0x1cd: {  	s2 =	simm.s32 $0x15A00  }
0x1ce: {  	[tilespmem:s2], [sflag:$0x1] =	stream.indirect_vreg.gather [hbm4b:s7+s3], $0x80, v4, vm0, $0xb8;
	[tilespmem:$0x18200] =	vst v63  }
0x1cf: {  	s2 =	simm.s32 $0x16200  }
0x1d0: {  	[tilespmem:s2], [sflag:$0x1] =	stream.indirect_vreg.gather [hbm4b:s1+s3], $0x80, v3, vm0, $0xb8;
	[tilespmem:$0x18200] =	vst v63  }
0x1d1: {  	s2 =	simm.s32 $0x16A00  }
0x1d2: {  	[tilespmem:s2], [sflag:$0x1] =	stream.indirect_vreg.gather [hbm4b:s5+s3], $0x80, v3, vm0, $0xb8;
	[tilespmem:$0x18200] =	vst v63  }
0x1d3: {  	s2 =	simm.s32 $0x17200  }
0x1d4: {  	[tilespmem:s2], [sflag:$0x1] =	stream.indirect_vreg.gather [hbm4b:s6+s3], $0x80, v3, vm0, $0xb8;
	[tilespmem:$0x18200] =	vst v63  }
0x1d5: {  	s2 =	simm.s32 $0x17A00  }
0x1d6: {  	[tilespmem:s2], [sflag:$0x1] =	stream.indirect_vreg.gather [hbm4b:s7+s3], $0x80, v3, vm0, $0xb8;
	[tilespmem:$0x18200] =	vst v63  }
0x1d7: {  	_ =	swait.ge [sflag:s9], $0x8000  }
0x1d8: {  	[sflag:s9] =	ssyncset.done $0x0  }
0x1d9: {  	s2 =	rddreg [dreg:$0xc];
	[sflag:s9] =	ssyncadd.s32 $0xFFFF8000  }
0x1da: {  	[hbm4b:s2+s3] =	stream.linear.scatter [tilespmem:s28], [sflag:$0x2], $0x8000, $0x38;
	[tilespmem:$0x18200] =	vst v63  }
0x1db: {  	_ =	swait.ge [sflag:s0], $0x8000  }
0x1dc: {  	[sflag:s0] =	ssyncset.done $0x0  }
0x1dd: {  	[sflag:s0] =	ssyncadd.s32 $0xFFFF8000  }
0x1de: {  	v3 =	vld [tilespmem:$0x120];
	_ =	sdelay $0x4  }
0x1df: {  	v50 =	vshll.u32 v3, $0x3  }
0x1e0: {  	v3 =	vand.u32 $0x7, v3;
	v4 =	vand.u32 $0xFFFFFFC0, v50  }
0x1e1: {  	v3 =	vor.u32 v3, v4  }
0x1e2: {  	v4 =	vperm.xlane v3, v0;
	_ =	sdelay $0x1  }
0x1e3: {  	v4 =	vadd.s32 v1, v4;
	_ =	sdelay $0x4  }
0x1e4: {  	[tilespmem:s10], [sflag:$0x1] =	stream.indirect_vreg.gather [hbm4b:s1+s3], $0x80, v4, vm0, $0xb8;
	[tilespmem:$0x18200] =	vst v63  }
0x1e5: {  	s26 =	simm.s32 $0xA00;
	v3 =	vperm.xlane v3, v2  }
0x1e6: {  	[tilespmem:s26], [sflag:$0x1] =	stream.indirect_vreg.gather [hbm4b:s5+s3], $0x80, v4, vm0, $0xb8;
	[tilespmem:$0x18200] =	vst v63  }
0x1e7: {  	s4 =	simm.s32 $0x1200;
	v3 =	vadd.s32 v1, v3  }
0x1e8: {  	[tilespmem:s4], [sflag:$0x1] =	stream.indirect_vreg.gather [hbm4b:s6+s3], $0x80, v4, vm0, $0xb8;
	[tilespmem:$0x18200] =	vst v63  }
0x1e9: {  	s11 =	simm.s32 $0x1A00  }
0x1ea: {  	[tilespmem:s11], [sflag:$0x1] =	stream.indirect_vreg.gather [hbm4b:s7+s3], $0x80, v4, vm0, $0xb8;
	[tilespmem:$0x18200] =	vst v63  }
0x1eb: {  	s12 =	simm.s32 $0x2200  }
0x1ec: {  	[tilespmem:s12], [sflag:$0x1] =	stream.indirect_vreg.gather [hbm4b:s1+s3], $0x80, v3, vm0, $0xb8;
	[tilespmem:$0x18200] =	vst v63  }
0x1ed: {  	s13 =	simm.s32 $0x2A00  }
0x1ee: {  	[tilespmem:s13], [sflag:$0x1] =	stream.indirect_vreg.gather [hbm4b:s5+s3], $0x80, v3, vm0, $0xb8;
	[tilespmem:$0x18200] =	vst v63  }
0x1ef: {  	s14 =	simm.s32 $0x3200  }
0x1f0: {  	[tilespmem:s14], [sflag:$0x1] =	stream.indirect_vreg.gather [hbm4b:s6+s3], $0x80, v3, vm0, $0xb8;
	[tilespmem:$0x18200] =	vst v63  }
0x1f1: {  	s20 =	simm.s32 $0x3A00  }
0x1f2: {  	[tilespmem:s20], [sflag:$0x1] =	stream.indirect_vreg.gather [hbm4b:s7+s3], $0x80, v3, vm0, $0xb8;
	[tilespmem:$0x18200] =	vst v63  }
0x1f3: {  	v3 =	vld [tilespmem:$0x130];
	_ =	sdelay $0x4  }
0x1f4: {  	v51 =	vshll.u32 v3, $0x3  }
0x1f5: {  	v3 =	vand.u32 $0x7, v3;
	v4 =	vand.u32 $0xFFFFFFC0, v51  }
0x1f6: {  	v3 =	vor.u32 v3, v4  }
0x1f7: {  	v4 =	vperm.xlane v3, v0;
	_ =	sdelay $0x1  }
0x1f8: {  	v4 =	vadd.s32 v1, v4;
	_ =	sdelay $0x3  }
0x1f9: {  	s21 =	simm.s32 $0x4200  }
0x1fa: {  	[tilespmem:s21], [sflag:$0x1] =	stream.indirect_vreg.gather [hbm4b:s1+s3], $0x80, v4, vm0, $0xb8;
	[tilespmem:$0x18200] =	vst v63  }
0x1fb: {  	s22 =	simm.s32 $0x4A00;
	v3 =	vperm.xlane v3, v2  }
0x1fc: {  	[tilespmem:s22], [sflag:$0x1] =	stream.indirect_vreg.gather [hbm4b:s5+s3], $0x80, v4, vm0, $0xb8;
	[tilespmem:$0x18200] =	vst v63  }
0x1fd: {  	s15 =	simm.s32 $0x5200;
	v3 =	vadd.s32 v1, v3  }
0x1fe: {  	[tilespmem:s15], [sflag:$0x1] =	stream.indirect_vreg.gather [hbm4b:s6+s3], $0x80, v4, vm0, $0xb8;
	[tilespmem:$0x18200] =	vst v63  }
0x1ff: {  	s16 =	simm.s32 $0x5A00  }
0x200: {  	[tilespmem:s16], [sflag:$0x1] =	stream.indirect_vreg.gather [hbm4b:s7+s3], $0x80, v4, vm0, $0xb8;
	[tilespmem:$0x18200] =	vst v63  }
0x201: {  	s17 =	simm.s32 $0x6200  }
0x202: {  	[tilespmem:s17], [sflag:$0x1] =	stream.indirect_vreg.gather [hbm4b:s1+s3], $0x80, v3, vm0, $0xb8;
	[tilespmem:$0x18200] =	vst v63  }
0x203: {  	s18 =	simm.s32 $0x6A00  }
0x204: {  	[tilespmem:s18], [sflag:$0x1] =	stream.indirect_vreg.gather [hbm4b:s5+s3], $0x80, v3, vm0, $0xb8;
	[tilespmem:$0x18200] =	vst v63  }
0x205: {  	s19 =	simm.s32 $0x7200  }
0x206: {  	[tilespmem:s19], [sflag:$0x1] =	stream.indirect_vreg.gather [hbm4b:s6+s3], $0x80, v3, vm0, $0xb8;
	[tilespmem:$0x18200] =	vst v63  }
0x207: {  	s23 =	simm.s32 $0x7A00  }
0x208: {  	[tilespmem:s23], [sflag:$0x1] =	stream.indirect_vreg.gather [hbm4b:s7+s3], $0x80, v3, vm0, $0xb8;
	[tilespmem:$0x18200] =	vst v63  }
0x209: {  	_ =	swait.ge [sflag:s9], $0x8000  }
0x20a: {  	[sflag:s9] =	ssyncset.done $0x0  }
0x20b: {  	s16 =	rddreg [dreg:$0xd];
	[sflag:s9] =	ssyncadd.s32 $0xFFFF8000  }
0x20c: {  	[hbm4b:s16+s3] =	stream.linear.scatter [tilespmem:s24], [sflag:$0x2], $0x8000, $0x38;
	[tilespmem:$0x18200] =	vst v63  }
0x20d: {  	_ =	swait.ge [sflag:s0], $0x8000  }
0x20e: {  	[sflag:s0] =	ssyncset.done $0x0  }
0x20f: {  	[sflag:s0] =	ssyncadd.s32 $0xFFFF8000  }
0x210: {  	v3 =	vld [tilespmem:$0x140];
	_ =	sdelay $0x4  }
0x211: {  	v52 =	vshll.u32 v3, $0x3  }
0x212: {  	v3 =	vand.u32 $0x7, v3;
	v4 =	vand.u32 $0xFFFFFFC0, v52  }
0x213: {  	v3 =	vor.u32 v3, v4  }
0x214: {  	v4 =	vperm.xlane v3, v0;
	_ =	sdelay $0x1  }
0x215: {  	v4 =	vadd.s32 v1, v4;
	_ =	sdelay $0x4  }
0x216: {  	[tilespmem:s28], [sflag:$0x1] =	stream.indirect_vreg.gather [hbm4b:s1+s3], $0x80, v4, vm0, $0xb8;
	[tilespmem:$0x18200] =	vst v63  }
0x217: {  	s17 =	simm.s32 $0x8A00;
	v3 =	vperm.xlane v3, v2  }
0x218: {  	[tilespmem:s17], [sflag:$0x1] =	stream.indirect_vreg.gather [hbm4b:s5+s3], $0x80, v4, vm0, $0xb8;
	[tilespmem:$0x18200] =	vst v63  }
0x219: {  	s18 =	simm.s32 $0x9200;
	v3 =	vadd.s32 v1, v3  }
0x21a: {  	[tilespmem:s18], [sflag:$0x1] =	stream.indirect_vreg.gather [hbm4b:s6+s3], $0x80, v4, vm0, $0xb8;
	[tilespmem:$0x18200] =	vst v63  }
0x21b: {  	s19 =	simm.s32 $0x9A00  }
0x21c: {  	[tilespmem:s19], [sflag:$0x1] =	stream.indirect_vreg.gather [hbm4b:s7+s3], $0x80, v4, vm0, $0xb8;
	[tilespmem:$0x18200] =	vst v63  }
0x21d: {  	s22 =	simm.s32 $0xA200  }
0x21e: {  	[tilespmem:s22], [sflag:$0x1] =	stream.indirect_vreg.gather [hbm4b:s1+s3], $0x80, v3, vm0, $0xb8;
	[tilespmem:$0x18200] =	vst v63  }
0x21f: {  	s23 =	simm.s32 $0xAA00  }
0x220: {  	[tilespmem:s23], [sflag:$0x1] =	stream.indirect_vreg.gather [hbm4b:s5+s3], $0x80, v3, vm0, $0xb8;
	[tilespmem:$0x18200] =	vst v63  }
0x221: {  	s4 =	simm.s32 $0xB200  }
0x222: {  	[tilespmem:s4], [sflag:$0x1] =	stream.indirect_vreg.gather [hbm4b:s6+s3], $0x80, v3, vm0, $0xb8;
	[tilespmem:$0x18200] =	vst v63  }
0x223: {  	s11 =	simm.s32 $0xBA00  }
0x224: {  	[tilespmem:s11], [sflag:$0x1] =	stream.indirect_vreg.gather [hbm4b:s7+s3], $0x80, v3, vm0, $0xb8;
	[tilespmem:$0x18200] =	vst v63  }
0x225: {  	v3 =	vld [tilespmem:$0x150];
	_ =	sdelay $0x4  }
0x226: {  	v53 =	vshll.u32 v3, $0x3  }
0x227: {  	v3 =	vand.u32 $0x7, v3;
	v4 =	vand.u32 $0xFFFFFFC0, v53  }
0x228: {  	v3 =	vor.u32 v3, v4  }
0x229: {  	v4 =	vperm.xlane v3, v0;
	_ =	sdelay $0x1  }
0x22a: {  	v4 =	vadd.s32 v1, v4;
	_ =	sdelay $0x3  }
0x22b: {  	s12 =	simm.s32 $0xC200  }
0x22c: {  	[tilespmem:s12], [sflag:$0x1] =	stream.indirect_vreg.gather [hbm4b:s1+s3], $0x80, v4, vm0, $0xb8;
	[tilespmem:$0x18200] =	vst v63  }
0x22d: {  	s13 =	simm.s32 $0xCA00;
	v3 =	vperm.xlane v3, v2  }
0x22e: {  	[tilespmem:s13], [sflag:$0x1] =	stream.indirect_vreg.gather [hbm4b:s5+s3], $0x80, v4, vm0, $0xb8;
	[tilespmem:$0x18200] =	vst v63  }
0x22f: {  	s14 =	simm.s32 $0xD200;
	v3 =	vadd.s32 v1, v3  }
0x230: {  	[tilespmem:s14], [sflag:$0x1] =	stream.indirect_vreg.gather [hbm4b:s6+s3], $0x80, v4, vm0, $0xb8;
	[tilespmem:$0x18200] =	vst v63  }
0x231: {  	s15 =	simm.s32 $0xDA00  }
0x232: {  	[tilespmem:s15], [sflag:$0x1] =	stream.indirect_vreg.gather [hbm4b:s7+s3], $0x80, v4, vm0, $0xb8;
	[tilespmem:$0x18200] =	vst v63  }
0x233: {  	s16 =	simm.s32 $0xE200  }
0x234: {  	[tilespmem:s16], [sflag:$0x1] =	stream.indirect_vreg.gather [hbm4b:s1+s3], $0x80, v3, vm0, $0xb8;
	[tilespmem:$0x18200] =	vst v63  }
0x235: {  	s17 =	simm.s32 $0xEA00  }
0x236: {  	[tilespmem:s17], [sflag:$0x1] =	stream.indirect_vreg.gather [hbm4b:s5+s3], $0x80, v3, vm0, $0xb8;
	[tilespmem:$0x18200] =	vst v63  }
0x237: {  	s18 =	simm.s32 $0xF200  }
0x238: {  	[tilespmem:s18], [sflag:$0x1] =	stream.indirect_vreg.gather [hbm4b:s6+s3], $0x80, v3, vm0, $0xb8;
	[tilespmem:$0x18200] =	vst v63  }
0x239: {  	s19 =	simm.s32 $0xFA00  }
0x23a: {  	[tilespmem:s19], [sflag:$0x1] =	stream.indirect_vreg.gather [hbm4b:s7+s3], $0x80, v3, vm0, $0xb8;
	[tilespmem:$0x18200] =	vst v63  }
0x23b: {  	_ =	swait.ge [sflag:s9], $0x8000  }
0x23c: {  	[sflag:s9] =	ssyncset.done $0x0  }
0x23d: {  	s22 =	rddreg [dreg:$0xe];
	[sflag:s9] =	ssyncadd.s32 $0xFFFF8000  }
0x23e: {  	[hbm4b:s22+s3] =	stream.linear.scatter [tilespmem:s10], [sflag:$0x2], $0x8000, $0x38;
	[tilespmem:$0x18200] =	vst v63  }
0x23f: {  	_ =	swait.ge [sflag:s0], $0x8000  }
0x240: {  	[sflag:s0] =	ssyncset.done $0x0  }
0x241: {  	[sflag:s0] =	ssyncadd.s32 $0xFFFF8000  }
0x242: {  	v3 =	vld [tilespmem:$0x160];
	_ =	sdelay $0x4  }
0x243: {  	v54 =	vshll.u32 v3, $0x3  }
0x244: {  	v3 =	vand.u32 $0x7, v3;
	v4 =	vand.u32 $0xFFFFFFC0, v54  }
0x245: {  	v3 =	vor.u32 v3, v4  }
0x246: {  	v4 =	vperm.xlane v3, v0;
	_ =	sdelay $0x1  }
0x247: {  	v4 =	vadd.s32 v1, v4;
	_ =	sdelay $0x4  }
0x248: {  	[tilespmem:s24], [sflag:$0x1] =	stream.indirect_vreg.gather [hbm4b:s1+s3], $0x80, v4, vm0, $0xb8;
	[tilespmem:$0x18200] =	vst v63  }
0x249: {  	s23 =	simm.s32 $0x10A00;
	v3 =	vperm.xlane v3, v2  }
0x24a: {  	[tilespmem:s23], [sflag:$0x1] =	stream.indirect_vreg.gather [hbm4b:s5+s3], $0x80, v4, vm0, $0xb8;
	[tilespmem:$0x18200] =	vst v63  }
0x24b: {  	s25 =	simm.s32 $0x11200;
	v3 =	vadd.s32 v1, v3  }
0x24c: {  	[tilespmem:s25], [sflag:$0x1] =	stream.indirect_vreg.gather [hbm4b:s6+s3], $0x80, v4, vm0, $0xb8;
	[tilespmem:$0x18200] =	vst v63  }
0x24d: {  	s29 =	simm.s32 $0x11A00  }
0x24e: {  	[tilespmem:s29], [sflag:$0x1] =	stream.indirect_vreg.gather [hbm4b:s7+s3], $0x80, v4, vm0, $0xb8;
	[tilespmem:$0x18200] =	vst v63  }
0x24f: {  	s30 =	simm.s32 $0x12200  }
0x250: {  	[tilespmem:s30], [sflag:$0x1] =	stream.indirect_vreg.gather [hbm4b:s1+s3], $0x80, v3, vm0, $0xb8;
	[tilespmem:$0x18200] =	vst v63  }
0x251: {  	s31 =	simm.s32 $0x12A00  }
0x252: {  	[tilespmem:s31], [sflag:$0x1] =	stream.indirect_vreg.gather [hbm4b:s5+s3], $0x80, v3, vm0, $0xb8;
	[tilespmem:$0x18200] =	vst v63  }
0x253: {  	s31 =	simm.s32 $0x13200  }
0x254: {  	[tilespmem:s31], [sflag:$0x1] =	stream.indirect_vreg.gather [hbm4b:s6+s3], $0x80, v3, vm0, $0xb8;
	[tilespmem:$0x18200] =	vst v63  }
0x255: {  	s4 =	simm.s32 $0x13A00  }
0x256: {  	[tilespmem:s4], [sflag:$0x1] =	stream.indirect_vreg.gather [hbm4b:s7+s3], $0x80, v3, vm0, $0xb8;
	[tilespmem:$0x18200] =	vst v63  }
0x257: {  	v3 =	vld [tilespmem:$0x170];
	_ =	sdelay $0x4  }
0x258: {  	v55 =	vshll.u32 v3, $0x3  }
0x259: {  	v3 =	vand.u32 $0x7, v3;
	v4 =	vand.u32 $0xFFFFFFC0, v55  }
0x25a: {  	v3 =	vor.u32 v3, v4  }
0x25b: {  	v4 =	vperm.xlane v3, v0;
	_ =	sdelay $0x1  }
0x25c: {  	v4 =	vadd.s32 v1, v4;
	_ =	sdelay $0x3  }
0x25d: {  	s11 =	simm.s32 $0x14200  }
0x25e: {  	[tilespmem:s11], [sflag:$0x1] =	stream.indirect_vreg.gather [hbm4b:s1+s3], $0x80, v4, vm0, $0xb8;
	[tilespmem:$0x18200] =	vst v63  }
0x25f: {  	s12 =	simm.s32 $0x14A00;
	v3 =	vperm.xlane v3, v2  }
0x260: {  	[tilespmem:s12], [sflag:$0x1] =	stream.indirect_vreg.gather [hbm4b:s5+s3], $0x80, v4, vm0, $0xb8;
	[tilespmem:$0x18200] =	vst v63  }
0x261: {  	s13 =	simm.s32 $0x15200;
	v3 =	vadd.s32 v1, v3  }
0x262: {  	[tilespmem:s13], [sflag:$0x1] =	stream.indirect_vreg.gather [hbm4b:s6+s3], $0x80, v4, vm0, $0xb8;
	[tilespmem:$0x18200] =	vst v63  }
0x263: {  	s14 =	simm.s32 $0x15A00  }
0x264: {  	[tilespmem:s14], [sflag:$0x1] =	stream.indirect_vreg.gather [hbm4b:s7+s3], $0x80, v4, vm0, $0xb8;
	[tilespmem:$0x18200] =	vst v63  }
0x265: {  	s15 =	simm.s32 $0x16200  }
0x266: {  	[tilespmem:s15], [sflag:$0x1] =	stream.indirect_vreg.gather [hbm4b:s1+s3], $0x80, v3, vm0, $0xb8;
	[tilespmem:$0x18200] =	vst v63  }
0x267: {  	s16 =	simm.s32 $0x16A00  }
0x268: {  	[tilespmem:s16], [sflag:$0x1] =	stream.indirect_vreg.gather [hbm4b:s5+s3], $0x80, v3, vm0, $0xb8;
	[tilespmem:$0x18200] =	vst v63  }
0x269: {  	s17 =	simm.s32 $0x17200  }
0x26a: {  	[tilespmem:s17], [sflag:$0x1] =	stream.indirect_vreg.gather [hbm4b:s6+s3], $0x80, v3, vm0, $0xb8;
	[tilespmem:$0x18200] =	vst v63  }
0x26b: {  	s18 =	simm.s32 $0x17A00  }
0x26c: {  	[tilespmem:s18], [sflag:$0x1] =	stream.indirect_vreg.gather [hbm4b:s7+s3], $0x80, v3, vm0, $0xb8;
	[tilespmem:$0x18200] =	vst v63  }
0x26d: {  	_ =	swait.ge [sflag:s9], $0x8000  }
0x26e: {  	[sflag:s9] =	ssyncset.done $0x0  }
0x26f: {  	s19 =	rddreg [dreg:$0xf];
	[sflag:s9] =	ssyncadd.s32 $0xFFFF8000  }
0x270: {  	[hbm4b:s19+s3] =	stream.linear.scatter [tilespmem:s28], [sflag:$0x2], $0x8000, $0x38;
	[tilespmem:$0x18200] =	vst v63  }
0x271: {  	_ =	swait.ge [sflag:s0], $0x8000  }
0x272: {  	[sflag:s0] =	ssyncset.done $0x0  }
0x273: {  	[sflag:s0] =	ssyncadd.s32 $0xFFFF8000  }
0x274: {  	v3 =	vld [tilespmem:$0x180];
	_ =	sdelay $0x4  }
0x275: {  	v56 =	vshll.u32 v3, $0x3  }
0x276: {  	v3 =	vand.u32 $0x7, v3;
	v4 =	vand.u32 $0xFFFFFFC0, v56  }
0x277: {  	v3 =	vor.u32 v3, v4  }
0x278: {  	v4 =	vperm.xlane v3, v0;
	_ =	sdelay $0x1  }
0x279: {  	v4 =	vadd.s32 v1, v4;
	_ =	sdelay $0x4  }
0x27a: {  	[tilespmem:s10], [sflag:$0x1] =	stream.indirect_vreg.gather [hbm4b:s1+s3], $0x80, v4, vm0, $0xb8;
	[tilespmem:$0x18200] =	vst v63  }
0x27b: {  	s14 =	simm.s32 $0xA00;
	v3 =	vperm.xlane v3, v2  }
0x27c: {  	[tilespmem:s14], [sflag:$0x1] =	stream.indirect_vreg.gather [hbm4b:s5+s3], $0x80, v4, vm0, $0xb8;
	[tilespmem:$0x18200] =	vst v63  }
0x27d: {  	s26 =	simm.s32 $0x1200;
	v3 =	vadd.s32 v1, v3  }
0x27e: {  	[tilespmem:s26], [sflag:$0x1] =	stream.indirect_vreg.gather [hbm4b:s6+s3], $0x80, v4, vm0, $0xb8;
	[tilespmem:$0x18200] =	vst v63  }
0x27f: {  	s15 =	simm.s32 $0x1A00  }
0x280: {  	[tilespmem:s15], [sflag:$0x1] =	stream.indirect_vreg.gather [hbm4b:s7+s3], $0x80, v4, vm0, $0xb8;
	[tilespmem:$0x18200] =	vst v63  }
0x281: {  	s16 =	simm.s32 $0x2200  }
0x282: {  	[tilespmem:s16], [sflag:$0x1] =	stream.indirect_vreg.gather [hbm4b:s1+s3], $0x80, v3, vm0, $0xb8;
	[tilespmem:$0x18200] =	vst v63  }
0x283: {  	s17 =	simm.s32 $0x2A00  }
0x284: {  	[tilespmem:s17], [sflag:$0x1] =	stream.indirect_vreg.gather [hbm4b:s5+s3], $0x80, v3, vm0, $0xb8;
	[tilespmem:$0x18200] =	vst v63  }
0x285: {  	s18 =	simm.s32 $0x3200  }
0x286: {  	[tilespmem:s18], [sflag:$0x1] =	stream.indirect_vreg.gather [hbm4b:s6+s3], $0x80, v3, vm0, $0xb8;
	[tilespmem:$0x18200] =	vst v63  }
0x287: {  	s19 =	simm.s32 $0x3A00  }
0x288: {  	[tilespmem:s19], [sflag:$0x1] =	stream.indirect_vreg.gather [hbm4b:s7+s3], $0x80, v3, vm0, $0xb8;
	[tilespmem:$0x18200] =	vst v63  }
0x289: {  	v3 =	vld [tilespmem:$0x190];
	_ =	sdelay $0x4  }
0x28a: {  	v57 =	vshll.u32 v3, $0x3  }
0x28b: {  	v3 =	vand.u32 $0x7, v3;
	v4 =	vand.u32 $0xFFFFFFC0, v57  }
0x28c: {  	v3 =	vor.u32 v3, v4  }
0x28d: {  	v4 =	vperm.xlane v3, v0;
	_ =	sdelay $0x1  }
0x28e: {  	v4 =	vadd.s32 v1, v4;
	_ =	sdelay $0x3  }
0x28f: {  	s18 =	simm.s32 $0x4200  }
0x290: {  	[tilespmem:s18], [sflag:$0x1] =	stream.indirect_vreg.gather [hbm4b:s1+s3], $0x80, v4, vm0, $0xb8;
	[tilespmem:$0x18200] =	vst v63  }
0x291: {  	s19 =	simm.s32 $0x4A00;
	v3 =	vperm.xlane v3, v2  }
0x292: {  	[tilespmem:s19], [sflag:$0x1] =	stream.indirect_vreg.gather [hbm4b:s5+s3], $0x80, v4, vm0, $0xb8;
	[tilespmem:$0x18200] =	vst v63  }
0x293: {  	s20 =	simm.s32 $0x5200;
	v3 =	vadd.s32 v1, v3  }
0x294: {  	[tilespmem:s20], [sflag:$0x1] =	stream.indirect_vreg.gather [hbm4b:s6+s3], $0x80, v4, vm0, $0xb8;
	[tilespmem:$0x18200] =	vst v63  }
0x295: {  	s21 =	simm.s32 $0x5A00  }
0x296: {  	[tilespmem:s21], [sflag:$0x1] =	stream.indirect_vreg.gather [hbm4b:s7+s3], $0x80, v4, vm0, $0xb8;
	[tilespmem:$0x18200] =	vst v63  }
0x297: {  	s21 =	simm.s32 $0x6200  }
0x298: {  	[tilespmem:s21], [sflag:$0x1] =	stream.indirect_vreg.gather [hbm4b:s1+s3], $0x80, v3, vm0, $0xb8;
	[tilespmem:$0x18200] =	vst v63  }
0x299: {  	s19 =	simm.s32 $0x6A00  }
0x29a: {  	[tilespmem:s19], [sflag:$0x1] =	stream.indirect_vreg.gather [hbm4b:s5+s3], $0x80, v3, vm0, $0xb8;
	[tilespmem:$0x18200] =	vst v63  }
0x29b: {  	s2 =	simm.s32 $0x7200  }
0x29c: {  	[tilespmem:s2], [sflag:$0x1] =	stream.indirect_vreg.gather [hbm4b:s6+s3], $0x80, v3, vm0, $0xb8;
	[tilespmem:$0x18200] =	vst v63  }
0x29d: {  	s2 =	simm.s32 $0x7A00  }
0x29e: {  	[tilespmem:s2], [sflag:$0x1] =	stream.indirect_vreg.gather [hbm4b:s7+s3], $0x80, v3, vm0, $0xb8;
	[tilespmem:$0x18200] =	vst v63  }
0x29f: {  	_ =	swait.ge [sflag:s9], $0x8000  }
0x2a0: {  	[sflag:s9] =	ssyncset.done $0x0  }
0x2a1: {  	s2 =	rddreg [dreg:$0x10];
	[sflag:s9] =	ssyncadd.s32 $0xFFFF8000  }
0x2a2: {  	[hbm4b:s2+s3] =	stream.linear.scatter [tilespmem:s24], [sflag:$0x2], $0x8000, $0x38;
	[tilespmem:$0x18200] =	vst v63  }
0x2a3: {  	_ =	swait.ge [sflag:s0], $0x8000  }
0x2a4: {  	[sflag:s0] =	ssyncset.done $0x0  }
0x2a5: {  	[sflag:s0] =	ssyncadd.s32 $0xFFFF8000  }
0x2a6: {  	v3 =	vld [tilespmem:$0x1A0];
	_ =	sdelay $0x4  }
0x2a7: {  	v58 =	vshll.u32 v3, $0x3  }
0x2a8: {  	v3 =	vand.u32 $0x7, v3;
	v4 =	vand.u32 $0xFFFFFFC0, v58  }
0x2a9: {  	v3 =	vor.u32 v3, v4  }
0x2aa: {  	v4 =	vperm.xlane v3, v0;
	_ =	sdelay $0x1  }
0x2ab: {  	v4 =	vadd.s32 v1, v4;
	_ =	sdelay $0x4  }
0x2ac: {  	[tilespmem:s28], [sflag:$0x1] =	stream.indirect_vreg.gather [hbm4b:s1+s3], $0x80, v4, vm0, $0xb8;
	[tilespmem:$0x18200] =	vst v63  }
0x2ad: {  	s2 =	simm.s32 $0x8A00;
	v3 =	vperm.xlane v3, v2  }
0x2ae: {  	[tilespmem:s2], [sflag:$0x1] =	stream.indirect_vreg.gather [hbm4b:s5+s3], $0x80, v4, vm0, $0xb8;
	[tilespmem:$0x18200] =	vst v63  }
0x2af: {  	v3 =	vadd.s32 v1, v3;
	s2 =	simm.s32 $0x9200  }
0x2b0: {  	[tilespmem:s2], [sflag:$0x1] =	stream.indirect_vreg.gather [hbm4b:s6+s3], $0x80, v4, vm0, $0xb8;
	[tilespmem:$0x18200] =	vst v63  }
0x2b1: {  	s2 =	simm.s32 $0x9A00  }
0x2b2: {  	[tilespmem:s2], [sflag:$0x1] =	stream.indirect_vreg.gather [hbm4b:s7+s3], $0x80, v4, vm0, $0xb8;
	[tilespmem:$0x18200] =	vst v63  }
0x2b3: {  	s2 =	simm.s32 $0xA200  }
0x2b4: {  	[tilespmem:s2], [sflag:$0x1] =	stream.indirect_vreg.gather [hbm4b:s1+s3], $0x80, v3, vm0, $0xb8;
	[tilespmem:$0x18200] =	vst v63  }
0x2b5: {  	s2 =	simm.s32 $0xAA00  }
0x2b6: {  	[tilespmem:s2], [sflag:$0x1] =	stream.indirect_vreg.gather [hbm4b:s5+s3], $0x80, v3, vm0, $0xb8;
	[tilespmem:$0x18200] =	vst v63  }
0x2b7: {  	s2 =	simm.s32 $0xB200  }
0x2b8: {  	[tilespmem:s2], [sflag:$0x1] =	stream.indirect_vreg.gather [hbm4b:s6+s3], $0x80, v3, vm0, $0xb8;
	[tilespmem:$0x18200] =	vst v63  }
0x2b9: {  	s2 =	simm.s32 $0xBA00  }
0x2ba: {  	[tilespmem:s2], [sflag:$0x1] =	stream.indirect_vreg.gather [hbm4b:s7+s3], $0x80, v3, vm0, $0xb8;
	[tilespmem:$0x18200] =	vst v63  }
0x2bb: {  	v3 =	vld [tilespmem:$0x1B0];
	_ =	sdelay $0x4  }
0x2bc: {  	v59 =	vshll.u32 v3, $0x3  }
0x2bd: {  	v3 =	vand.u32 $0x7, v3;
	v4 =	vand.u32 $0xFFFFFFC0, v59  }
0x2be: {  	v3 =	vor.u32 v3, v4  }
0x2bf: {  	v4 =	vperm.xlane v3, v0;
	_ =	sdelay $0x1  }
0x2c0: {  	v4 =	vadd.s32 v1, v4;
	_ =	sdelay $0x3  }
0x2c1: {  	s2 =	simm.s32 $0xC200  }
0x2c2: {  	[tilespmem:s2], [sflag:$0x1] =	stream.indirect_vreg.gather [hbm4b:s1+s3], $0x80, v4, vm0, $0xb8;
	[tilespmem:$0x18200] =	vst v63  }
0x2c3: {  	v3 =	vperm.xlane v3, v2;
	s2 =	simm.s32 $0xCA00  }
0x2c4: {  	[tilespmem:s2], [sflag:$0x1] =	stream.indirect_vreg.gather [hbm4b:s5+s3], $0x80, v4, vm0, $0xb8;
	[tilespmem:$0x18200] =	vst v63  }
0x2c5: {  	v3 =	vadd.s32 v1, v3;
	s2 =	simm.s32 $0xD200  }
0x2c6: {  	[tilespmem:s2], [sflag:$0x1] =	stream.indirect_vreg.gather [hbm4b:s6+s3], $0x80, v4, vm0, $0xb8;
	[tilespmem:$0x18200] =	vst v63  }
0x2c7: {  	s2 =	simm.s32 $0xDA00  }
0x2c8: {  	[tilespmem:s2], [sflag:$0x1] =	stream.indirect_vreg.gather [hbm4b:s7+s3], $0x80, v4, vm0, $0xb8;
	[tilespmem:$0x18200] =	vst v63  }
0x2c9: {  	s2 =	simm.s32 $0xE200  }
0x2ca: {  	[tilespmem:s2], [sflag:$0x1] =	stream.indirect_vreg.gather [hbm4b:s1+s3], $0x80, v3, vm0, $0xb8;
	[tilespmem:$0x18200] =	vst v63  }
0x2cb: {  	s2 =	simm.s32 $0xEA00  }
0x2cc: {  	[tilespmem:s2], [sflag:$0x1] =	stream.indirect_vreg.gather [hbm4b:s5+s3], $0x80, v3, vm0, $0xb8;
	[tilespmem:$0x18200] =	vst v63  }
0x2cd: {  	s2 =	simm.s32 $0xF200  }
0x2ce: {  	[tilespmem:s2], [sflag:$0x1] =	stream.indirect_vreg.gather [hbm4b:s6+s3], $0x80, v3, vm0, $0xb8;
	[tilespmem:$0x18200] =	vst v63  }
0x2cf: {  	s2 =	simm.s32 $0xFA00  }
0x2d0: {  	[tilespmem:s2], [sflag:$0x1] =	stream.indirect_vreg.gather [hbm4b:s7+s3], $0x80, v3, vm0, $0xb8;
	[tilespmem:$0x18200] =	vst v63  }
0x2d1: {  	_ =	swait.ge [sflag:s9], $0x8000  }
0x2d2: {  	[sflag:s9] =	ssyncset.done $0x0  }
0x2d3: {  	s2 =	rddreg [dreg:$0x11];
	[sflag:s9] =	ssyncadd.s32 $0xFFFF8000  }
0x2d4: {  	[hbm4b:s2+s3] =	stream.linear.scatter [tilespmem:s10], [sflag:$0x2], $0x8000, $0x38;
	[tilespmem:$0x18200] =	vst v63  }
0x2d5: {  	_ =	swait.ge [sflag:s0], $0x8000  }
0x2d6: {  	[sflag:s0] =	ssyncset.done $0x0  }
0x2d7: {  	[sflag:s0] =	ssyncadd.s32 $0xFFFF8000  }
0x2d8: {  	v3 =	vld [tilespmem:$0x1C0];
	_ =	sdelay $0x4  }
0x2d9: {  	v60 =	vshll.u32 v3, $0x3  }
0x2da: {  	v3 =	vand.u32 $0x7, v3;
	v4 =	vand.u32 $0xFFFFFFC0, v60  }
0x2db: {  	v3 =	vor.u32 v3, v4  }
0x2dc: {  	v4 =	vperm.xlane v3, v0;
	_ =	sdelay $0x1  }
0x2dd: {  	v4 =	vadd.s32 v1, v4;
	_ =	sdelay $0x4  }
0x2de: {  	[tilespmem:s24], [sflag:$0x1] =	stream.indirect_vreg.gather [hbm4b:s1+s3], $0x80, v4, vm0, $0xb8;
	[tilespmem:$0x18200] =	vst v63  }
0x2df: {  	s2 =	simm.s32 $0x10A00;
	v3 =	vperm.xlane v3, v2  }
0x2e0: {  	[tilespmem:s2], [sflag:$0x1] =	stream.indirect_vreg.gather [hbm4b:s5+s3], $0x80, v4, vm0, $0xb8;
	[tilespmem:$0x18200] =	vst v63  }
0x2e1: {  	s22 =	simm.s32 $0x11200;
	v3 =	vadd.s32 v1, v3  }
0x2e2: {  	[tilespmem:s22], [sflag:$0x1] =	stream.indirect_vreg.gather [hbm4b:s6+s3], $0x80, v4, vm0, $0xb8;
	[tilespmem:$0x18200] =	vst v63  }
0x2e3: {  	s23 =	simm.s32 $0x11A00  }
0x2e4: {  	[tilespmem:s23], [sflag:$0x1] =	stream.indirect_vreg.gather [hbm4b:s7+s3], $0x80, v4, vm0, $0xb8;
	[tilespmem:$0x18200] =	vst v63  }
0x2e5: {  	s25 =	simm.s32 $0x12200  }
0x2e6: {  	[tilespmem:s25], [sflag:$0x1] =	stream.indirect_vreg.gather [hbm4b:s1+s3], $0x80, v3, vm0, $0xb8;
	[tilespmem:$0x18200] =	vst v63  }
0x2e7: {  	s29 =	simm.s32 $0x12A00  }
0x2e8: {  	[tilespmem:s29], [sflag:$0x1] =	stream.indirect_vreg.gather [hbm4b:s5+s3], $0x80, v3, vm0, $0xb8;
	[tilespmem:$0x18200] =	vst v63  }
0x2e9: {  	s30 =	simm.s32 $0x13200  }
0x2ea: {  	[tilespmem:s30], [sflag:$0x1] =	stream.indirect_vreg.gather [hbm4b:s6+s3], $0x80, v3, vm0, $0xb8;
	[tilespmem:$0x18200] =	vst v63  }
0x2eb: {  	s25 =	simm.s32 $0x13A00  }
0x2ec: {  	[tilespmem:s25], [sflag:$0x1] =	stream.indirect_vreg.gather [hbm4b:s7+s3], $0x80, v3, vm0, $0xb8;
	[tilespmem:$0x18200] =	vst v63  }
0x2ed: {  	v3 =	vld [tilespmem:$0x1D0];
	_ =	sdelay $0x4  }
0x2ee: {  	v61 =	vshll.u32 v3, $0x3  }
0x2ef: {  	v3 =	vand.u32 $0x7, v3;
	v4 =	vand.u32 $0xFFFFFFC0, v61  }
0x2f0: {  	v3 =	vor.u32 v3, v4  }
0x2f1: {  	v4 =	vperm.xlane v3, v0;
	_ =	sdelay $0x1  }
0x2f2: {  	v4 =	vadd.s32 v1, v4;
	_ =	sdelay $0x3  }
0x2f3: {  	s29 =	simm.s32 $0x14200  }
0x2f4: {  	[tilespmem:s29], [sflag:$0x1] =	stream.indirect_vreg.gather [hbm4b:s1+s3], $0x80, v4, vm0, $0xb8;
	[tilespmem:$0x18200] =	vst v63  }
0x2f5: {  	s30 =	simm.s32 $0x14A00;
	v3 =	vperm.xlane v3, v2  }
0x2f6: {  	[tilespmem:s30], [sflag:$0x1] =	stream.indirect_vreg.gather [hbm4b:s5+s3], $0x80, v4, vm0, $0xb8;
	[tilespmem:$0x18200] =	vst v63  }
0x2f7: {  	s31 =	simm.s32 $0x15200;
	v3 =	vadd.s32 v1, v3  }
0x2f8: {  	[tilespmem:s31], [sflag:$0x1] =	stream.indirect_vreg.gather [hbm4b:s6+s3], $0x80, v4, vm0, $0xb8;
	[tilespmem:$0x18200] =	vst v63  }
0x2f9: {  	s4 =	simm.s32 $0x15A00  }
0x2fa: {  	[tilespmem:s4], [sflag:$0x1] =	stream.indirect_vreg.gather [hbm4b:s7+s3], $0x80, v4, vm0, $0xb8;
	[tilespmem:$0x18200] =	vst v63  }
0x2fb: {  	s11 =	simm.s32 $0x16200  }
0x2fc: {  	[tilespmem:s11], [sflag:$0x1] =	stream.indirect_vreg.gather [hbm4b:s1+s3], $0x80, v3, vm0, $0xb8;
	[tilespmem:$0x18200] =	vst v63  }
0x2fd: {  	s12 =	simm.s32 $0x16A00  }
0x2fe: {  	[tilespmem:s12], [sflag:$0x1] =	stream.indirect_vreg.gather [hbm4b:s5+s3], $0x80, v3, vm0, $0xb8;
	[tilespmem:$0x18200] =	vst v63  }
0x2ff: {  	s13 =	simm.s32 $0x17200  }
0x300: {  	[tilespmem:s13], [sflag:$0x1] =	stream.indirect_vreg.gather [hbm4b:s6+s3], $0x80, v3, vm0, $0xb8;
	[tilespmem:$0x18200] =	vst v63  }
0x301: {  	s11 =	simm.s32 $0x17A00  }
0x302: {  	[tilespmem:s11], [sflag:$0x1] =	stream.indirect_vreg.gather [hbm4b:s7+s3], $0x80, v3, vm0, $0xb8;
	[tilespmem:$0x18200] =	vst v63  }
0x303: {  	_ =	swait.ge [sflag:s9], $0x8000  }
0x304: {  	[sflag:s9] =	ssyncset.done $0x0  }
0x305: {  	s12 =	rddreg [dreg:$0x12];
	[sflag:s9] =	ssyncadd.s32 $0xFFFF8000  }
0x306: {  	[hbm4b:s12+s3] =	stream.linear.scatter [tilespmem:s28], [sflag:$0x2], $0x8000, $0x38;
	[tilespmem:$0x18200] =	vst v63  }
0x307: {  	_ =	swait.ge [sflag:s0], $0x8000  }
0x308: {  	[sflag:s0] =	ssyncset.done $0x0  }
0x309: {  	[sflag:s0] =	ssyncadd.s32 $0xFFFF8000  }
0x30a: {  	v3 =	vld [tilespmem:$0x1E0];
	_ =	sdelay $0x4  }
0x30b: {  	v62 =	vshll.u32 v3, $0x3  }
0x30c: {  	v3 =	vand.u32 $0x7, v3;
	v4 =	vand.u32 $0xFFFFFFC0, v62  }
0x30d: {  	v3 =	vor.u32 v3, v4  }
0x30e: {  	v4 =	vperm.xlane v3, v0;
	_ =	sdelay $0x1  }
0x30f: {  	v4 =	vadd.s32 v1, v4;
	_ =	sdelay $0x4  }
0x310: {  	[tilespmem:s10], [sflag:$0x1] =	stream.indirect_vreg.gather [hbm4b:s1+s3], $0x80, v4, vm0, $0xb8;
	[tilespmem:$0x18200] =	vst v63  }
0x311: {  	s13 =	simm.s32 $0xA00;
	v3 =	vperm.xlane v3, v2  }
0x312: {  	[tilespmem:s13], [sflag:$0x1] =	stream.indirect_vreg.gather [hbm4b:s5+s3], $0x80, v4, vm0, $0xb8;
	[tilespmem:$0x18200] =	vst v63  }
0x313: {  	s14 =	simm.s32 $0x1200;
	v3 =	vadd.s32 v1, v3  }
0x314: {  	[tilespmem:s14], [sflag:$0x1] =	stream.indirect_vreg.gather [hbm4b:s6+s3], $0x80, v4, vm0, $0xb8;
	[tilespmem:$0x18200] =	vst v63  }
0x315: {  	s26 =	simm.s32 $0x1A00  }
0x316: {  	[tilespmem:s26], [sflag:$0x1] =	stream.indirect_vreg.gather [hbm4b:s7+s3], $0x80, v4, vm0, $0xb8;
	[tilespmem:$0x18200] =	vst v63  }
0x317: {  	s15 =	simm.s32 $0x2200  }
0x318: {  	[tilespmem:s15], [sflag:$0x1] =	stream.indirect_vreg.gather [hbm4b:s1+s3], $0x80, v3, vm0, $0xb8;
	[tilespmem:$0x18200] =	vst v63  }
0x319: {  	s16 =	simm.s32 $0x2A00  }
0x31a: {  	[tilespmem:s16], [sflag:$0x1] =	stream.indirect_vreg.gather [hbm4b:s5+s3], $0x80, v3, vm0, $0xb8;
	[tilespmem:$0x18200] =	vst v63  }
0x31b: {  	s17 =	simm.s32 $0x3200  }
0x31c: {  	[tilespmem:s17], [sflag:$0x1] =	stream.indirect_vreg.gather [hbm4b:s6+s3], $0x80, v3, vm0, $0xb8;
	[tilespmem:$0x18200] =	vst v63  }
0x31d: {  	s22 =	simm.s32 $0x3A00  }
0x31e: {  	[tilespmem:s22], [sflag:$0x1] =	stream.indirect_vreg.gather [hbm4b:s7+s3], $0x80, v3, vm0, $0xb8;
	[tilespmem:$0x18200] =	vst v63  }
0x31f: {  	v3 =	vld [tilespmem:$0x1F0];
	_ =	sdelay $0x4  }
0x320: {  	v63 =	vshll.u32 v3, $0x3  }
0x321: {  	v3 =	vand.u32 $0x7, v3;
	v4 =	vand.u32 $0xFFFFFFC0, v63  }
0x322: {  	v3 =	vor.u32 v3, v4  }
0x323: {  	v4 =	vperm.xlane v3, v0;
	_ =	sdelay $0x1  }
0x324: {  	v4 =	vadd.s32 v1, v4;
	_ =	sdelay $0x3  }
0x325: {  	s23 =	simm.s32 $0x4200  }
0x326: {  	[tilespmem:s23], [sflag:$0x1] =	stream.indirect_vreg.gather [hbm4b:s1+s3], $0x80, v4, vm0, $0xb8;
	[tilespmem:$0x18200] =	vst v63  }
0x327: {  	s25 =	simm.s32 $0x4A00;
	v3 =	vperm.xlane v3, v2  }
0x328: {  	[tilespmem:s25], [sflag:$0x1] =	stream.indirect_vreg.gather [hbm4b:s5+s3], $0x80, v4, vm0, $0xb8;
	[tilespmem:$0x18200] =	vst v63  }
0x329: {  	s18 =	simm.s32 $0x5200;
	v3 =	vadd.s32 v1, v3  }
0x32a: {  	[tilespmem:s18], [sflag:$0x1] =	stream.indirect_vreg.gather [hbm4b:s6+s3], $0x80, v4, vm0, $0xb8;
	[tilespmem:$0x18200] =	vst v63  }
0x32b: {  	s20 =	simm.s32 $0x5A00  }
0x32c: {  	[tilespmem:s20], [sflag:$0x1] =	stream.indirect_vreg.gather [hbm4b:s7+s3], $0x80, v4, vm0, $0xb8;
	[tilespmem:$0x18200] =	vst v63  }
0x32d: {  	s21 =	simm.s32 $0x6200  }
0x32e: {  	[tilespmem:s21], [sflag:$0x1] =	stream.indirect_vreg.gather [hbm4b:s1+s3], $0x80, v3, vm0, $0xb8;
	[tilespmem:$0x18200] =	vst v63  }
0x32f: {  	s19 =	simm.s32 $0x6A00  }
0x330: {  	[tilespmem:s19], [sflag:$0x1] =	stream.indirect_vreg.gather [hbm4b:s5+s3], $0x80, v3, vm0, $0xb8;
	[tilespmem:$0x18200] =	vst v63  }
0x331: {  	s26 =	simm.s32 $0x7200  }
0x332: {  	[tilespmem:s26], [sflag:$0x1] =	stream.indirect_vreg.gather [hbm4b:s6+s3], $0x80, v3, vm0, $0xb8;
	[tilespmem:$0x18200] =	vst v63  }
0x333: {  	s29 =	simm.s32 $0x7A00  }
0x334: {  	[tilespmem:s29], [sflag:$0x1] =	stream.indirect_vreg.gather [hbm4b:s7+s3], $0x80, v3, vm0, $0xb8;
	[tilespmem:$0x18200] =	vst v63  }
0x335: {  	_ =	swait.ge [sflag:s9], $0x8000  }
0x336: {  	[sflag:s9] =	ssyncset.done $0x0  }
0x337: {  	s30 =	rddreg [dreg:$0x13];
	[sflag:s9] =	ssyncadd.s32 $0xFFFF8000  }
0x338: {  	[hbm4b:s30+s3] =	stream.linear.scatter [tilespmem:s24], [sflag:$0x2], $0x8000, $0x38;
	[tilespmem:$0x18200] =	vst v63  }
0x339: {  	_ =	swait.ge [sflag:s9], $0x8000  }
0x33a: {  	[sflag:s9] =	ssyncset.done $0x0  }
0x33b: {  	s31 =	rddreg [dreg:$0x14];
	[sflag:s9] =	ssyncadd.s32 $0xFFFF8000  }
0x33c: {  	[hbm4b:s31+s3] =	stream.linear.scatter [tilespmem:s10], [sflag:$0x2], $0x8000, $0x38;
	[tilespmem:$0x18200] =	vst v63  }
0x33d: {  	_ =	swait.ge [sflag:s0], $0x8000  }
0x33e: {  	[sflag:s0] =	ssyncset.done $0x0  }
0x33f: {  	[sflag:s0] =	ssyncadd.s32 $0xFFFF8000  }
0x340: {  	p0 =	sne.s32 s8, $0x1;
	_ =	swait.ge [sflag:s0], $0x8000  }
.Ltmp0:
0x341: {  	[sflag:s0] =	ssyncset.done $0x0;
	(pc) =	sbr.rel @p0 .LBB2_1-.Ltmp0, $4  }
0x342: {  	[sflag:s0] =	ssyncadd.s32 $0xFFFF8000  }
0x343: {  	_ =	swait.ge [sflag:s0], $0x8000  }
0x344: {  	[sflag:s0] =	ssyncset.done $0x0  }
0x345: {  	s8 =	sadd.s32 $0xFFFFFFFF, s8;
	[sflag:s0] =	ssyncadd.s32 $0xFFFF8000  }
0x346: {  	_ =	sfence.sel $0x180000  }
0x347: {  	[bflag:$0x0] =	sbarrier.arrive $0xFFFF  }
0x348: {  	_ =	strace $0x90000047  }
0x349: {  	s0 =	stileid.u32;
	[bflag:$0x2] =	sbarrier.arrive $0xFFFF  }
0x34a: {  	p0 =	sne.s32 s0, $0x0;
	s0 =	rddreg [dreg:$0x3]  }
0x34b: {  	s0 =	sadd.s32 @!p0 $0x100000, s0  }
0x34c: {  	[sflag:s0] =	ssyncadd.tile.s32 @!p0 $0x1;
	_ =	shalt  }
.Lfunc_end2:
_tile_overlayer_lowered:
.L_overlay_start_2:
0x34d: {  	(tag) =	ssettag $0x2  }
0x34e: {  	s0 =	rddreg [dreg:$0x0];
	s2 =	stileid.u32  }
0x34f: {  	s1 =	rddreg [dreg:$0x1];
	p0 =	sne.s32 s2, $0x0  }
0x350: {  	s3 =	rddreg [dreg:$0x2];
	[bflag:$0x3] =	sbarrier.arrive $0xFFFF;
	s2 =	simm.s32 @!p0 $0x1C04  }
0x351: {  	[timem:s3], [sflag:s2] =	dma.local @!p0 [hbm:s0], s1  }
0x352: {  	s0 =	simm.s32 @!p0 $0x4  }
0x353: {  	_ =	swait.ge @!p0 [sflag:s0], s1  }
0x354: {  	s1 =	ssub.s32 @!p0 $0x0, s1;
	[sflag:s0] =	ssyncset.done @!p0 $0x0  }
0x355: {  	[sflag:s0] =	ssyncadd.s32 @!p0 s1  }
0x356: {  	[bflag:$0x3] =	sbarrier.arrive $0xFFFF  }
0x357: {  	_ =	shalt  }

</sc_bundles>
